<compile_context>
chip_gen: v7x
topology: tpu7x:2x2x1
jax: 0.10.2.dev20260603
libtpu: 0.0.44.dev20260713+nightly
codegen_flags: <defaults>
</compile_context>

<pallas_src>
import functools
import numpy as np
import jax
import jax.numpy as jnp
from jax import lax
from jax.experimental import pallas as pl
from jax.experimental.pallas import tpu as pltpu
from jax.experimental.pallas import tpu_sc as plsc

N_BINS = 18
B = 32
T = 16384
T_SC = 2048
T_TC = T - T_SC
NBINS_PAD = N_BINS + 2
ACC = NBINS_PAD * B

_INV_DELTA = np.float32(N_BINS / (2.0 * np.pi))
_PI = np.float32(np.pi)


def _sc_body(pha_hbm, ampT_hbm, out_hbm, pha_v, offs_v, amp_v, acc_v, sem):
    j = lax.axis_index("s") * 2 + lax.axis_index("c")

    pltpu.async_copy(ampT_hbm.at[pl.ds(0, T_SC * B)], amp_v, sem)
    pltpu.sync_copy(pha_hbm.at[pl.ds(j * T, T_SC)], pha_v)

    @plsc.parallel_loop(0, ACC // 16, unroll=8)
    def _zero(k):
        acc_v[pl.ds(k * 16, 16)] = jnp.zeros((16,), jnp.float32)

    @plsc.parallel_loop(0, T_SC // 16, unroll=4)
    def _binify(k):
        f = (pha_v[pl.ds(k * 16, 16)] + _PI) * _INV_DELTA
        idx = f.astype(jnp.int32)
        idx = jnp.minimum(idx, N_BINS)
        idx = jnp.where(f < 0.0, N_BINS, idx)
        offs_v[pl.ds(k * 16, 16)] = idx * B

    pltpu.make_async_copy(ampT_hbm.at[pl.ds(0, T_SC * B)], amp_v, sem).wait()

    lane_iota = lax.iota(jnp.int32, 16)
    base1 = lane_iota + 16

    @plsc.parallel_loop(0, T_SC // 16, unroll=4)
    def _accum(g):
        off_vec = offs_v[pl.ds(g * 16, 16)]
        tbase = g * (16 * B)
        for u in range(16):
            off_splat = jnp.take_along_axis(
                off_vec, jnp.full((16,), u, jnp.int32), axis=0,
                mode="promise_in_bounds"
            )
            a0 = amp_v[pl.ds(tbase + u * B, 16)]
            a1 = amp_v[pl.ds(tbase + u * B + 16, 16)]
            plsc.addupdate_scatter(acc_v, [lane_iota + off_splat], a0)
            plsc.addupdate_scatter(acc_v, [base1 + off_splat], a1)

    pltpu.sync_copy(acc_v, out_hbm.at[pl.ds(j * ACC, ACC)])


@functools.partial(
    pl.kernel,
    out_type=jax.ShapeDtypeStruct((B * ACC,), jnp.float32),
    mesh=plsc.VectorSubcoreMesh(
        core_axis_name="c", subcore_axis_name="s", num_cores=2, num_subcores=16
    ),
    scratch_types=[
        pltpu.VMEM((T_SC,), jnp.float32),
        pltpu.VMEM((T_SC,), jnp.int32),
        pltpu.VMEM((T_SC * B,), jnp.float32),
        pltpu.VMEM((ACC,), jnp.float32),
        pltpu.SemaphoreType.DMA,
    ],
    compiler_params=pltpu.CompilerParams(needs_layout_passes=False),
)
def _sc_binsum(pha_hbm, ampT_hbm, out_hbm, pha_v, offs_v, amp_v, acc_v, sem):
    _sc_body(pha_hbm, ampT_hbm, out_hbm, pha_v, offs_v, amp_v, acc_v, sem)


def _mm_body(cut_ref, pha_ref, amp_ref, out_ref):
    amp = amp_ref[...]
    cut = cut_ref[...]
    lows = cut[0, :N_BINS].reshape(N_BINS, 1)
    highs = cut[0, 1 : N_BINS + 1].reshape(N_BINS, 1)

    def per_j(jj, carry):
        pha_j = pha_ref[pl.ds(jj, 1), :]
        oh = ((lows < pha_j) & (pha_j < highs)).astype(jnp.float32)
        sums = lax.dot_general(
            oh, amp, (((1,), (1,)), ((), ())),
            preferred_element_type=jnp.float32,
        )
        out_ref[pl.ds(jj, 1), :, :] = sums.reshape(1, N_BINS, B)
        return carry

    lax.fori_loop(0, B, per_j, 0)


def _fin_body(sc_ref, tc_ref, out_ref):
    s = sc_ref[...][:, :N_BINS, :] + tc_ref[...]
    tot = jnp.sum(s, axis=1, keepdims=True)
    p = s / tot
    inv_log_n = np.float32(1.0 / np.log(float(N_BINS)))
    mi = 1.0 + inv_log_n * jnp.sum(p * jnp.log(p), axis=1)
    out_ref[...] = mi


@jax.jit
def kernel(pha, amp):
    cutoffs = jnp.linspace(-np.pi, np.pi, N_BINS + 1).astype(pha.dtype)
    cutoffs = cutoffs.reshape(1, N_BINS + 1)
    ampT_sc = amp[:, :T_SC].T.reshape(-1)
    sc_sums = _sc_binsum(pha.reshape(-1), ampT_sc)
    tc_sums = pl.pallas_call(
        _mm_body,
        out_shape=jax.ShapeDtypeStruct((B, N_BINS, B), jnp.float32),
    )(cutoffs, pha[:, T_SC:], amp[:, T_SC:])
    mit = pl.pallas_call(
        _fin_body,
        out_shape=jax.ShapeDtypeStruct((B, B), jnp.float32),
    )(sc_sums.reshape(B, NBINS_PAD, B), tc_sums)
    return mit.T

# --- scband reference (transcript-rebuilt; emitter-appended) ---
"""Pipeline reference for scband-modulation-index-layer-54623394070868 (READ-ONLY COPY).

The authoritative reference and input builder live on the scoring server;
editing this copy changes nothing except your own understanding.
"""

import jax, jax.numpy as jnp
import numpy as np

N_BINS = 18
B = 32
T = 16384


def setup_inputs(seed: int = 0) -> dict:
    key = jax.random.key(seed)
    k1, k2 = jax.random.split(key)
    pha = jax.random.normal(k1, (B, T), dtype=jnp.float32)
    amp = jax.random.uniform(k2, (B, T), dtype=jnp.float32)
    return {"pha": pha, "amp": amp}


def reference(pha, amp):
    n_bins = N_BINS
    cutoffs = jnp.linspace(-np.pi, np.pi, n_bins + 1).astype(pha.dtype)
    b, t = pha.shape
    # expand_on_a_mesh_grid with expand_dim=0:
    # result pha_e[i, j, :] = pha[j, :] (mesh1[i,j]=j), amp_e[i, j, :] = amp[i, :] (mesh2[i,j]=i)
    pha_e = jnp.broadcast_to(pha[None, :, :], (b, b, t))
    amp_e = jnp.broadcast_to(amp[:, None, :], (b, b, t))
    amp_means = []
    for i_bin in range(n_bins):
        low = cutoffs[i_bin]
        high = cutoffs[i_bin + 1]
        mask = ((low < pha_e) & (pha_e < high)).astype(pha.dtype)
        amp_means.append(jnp.mean(amp_e * mask, axis=-1))
    amp_means = jnp.stack(amp_means, axis=-1)
    amp_probs = amp_means / jnp.sum(amp_means, axis=-1, keepdims=True)
    n = jnp.asarray(n_bins, dtype=amp_probs.dtype)
    MI = 1.0 + (1.0 / jnp.log(n)) * jnp.sum(amp_probs * jnp.log(amp_probs), axis=-1)
    return MI

if __name__ == "__main__":
    import jax
    _d = setup_inputs()
    print(jax.jit(kernel)(*tuple(_d.values())))

</pallas_src>

<mosaic_0001>
#map = affine_map<(d0, d1) -> (0)>
module attributes {stable_mosaic.version = 14 : i64} {
  func.func @_sc_binsum(%arg0: i32, %arg1: i32, %arg2: memref<524288xf32, #tpu.memory_space<hbm>>, %arg3: memref<65536xf32, #tpu.memory_space<hbm>>, %arg4: memref<20480xf32, #tpu.memory_space<hbm>>, %arg5: memref<2048xf32, #tpu.memory_space<vmem>>, %arg6: memref<2048xi32, #tpu.memory_space<vmem>>, %arg7: memref<65536xf32, #tpu.memory_space<vmem>>, %arg8: memref<640xf32, #tpu.memory_space<vmem>>, %arg9: memref<!tpu.dma_semaphore, #tpu.memory_space<semaphore_mem>>) attributes {dimension_semantics = [#tpu.dimension_semantics<core_parallel>, #tpu.dimension_semantics<subcore_parallel>], iteration_bounds = array<i64: 2, 16>, scalar_prefetch = 0 : i64, scratch_operands = 5 : i64, tpu.core_type = #tpu.core_type<sc_vector_subcore>, window_params = [{transform_indices = #map}, {transform_indices = #map}, {transform_indices = #map}]} {
    %mul3A = arith.constant 2 : i32
    %mul3A_0 = arith.muli %arg1, %mul3A : i32
    %add3A = arith.addi %mul3A_0, %arg0 : i32
    %dma_start3A = arith.constant 0 : i32
    %dma_start3A_1 = tpu.memref_slice %arg3[%dma_start3A] : memref<65536xf32, #tpu.memory_space<hbm>> -> memref<65536xf32, #tpu.memory_space<hbm>>
    %dma_start3A_2 = arith.constant 0 : i32
    %dma_start3A_3 = tpu.memref_slice %arg3[%dma_start3A_2] : memref<65536xf32, #tpu.memory_space<hbm>> -> memref<65536xf32, #tpu.memory_space<hbm>>
    tpu.enqueue_dma source(%dma_start3A_3 : memref<65536xf32, #tpu.memory_space<hbm>>) target(%arg7 : memref<65536xf32, #tpu.memory_space<vmem>>) target_semaphore(%arg9 : memref<!tpu.dma_semaphore, #tpu.memory_space<semaphore_mem>>)
    %mul3A_4 = arith.constant 16384 : i32
    %mul3A_5 = arith.muli %add3A, %mul3A_4 : i32
    "tpu.region"() ({
      %run_scoped3A = tpu.sem_alloc : memref<!tpu.dma_semaphore, #tpu.memory_space<semaphore_mem>>
      %dma_start3A_22 = tpu.memref_slice %arg2[%mul3A_5] : memref<524288xf32, #tpu.memory_space<hbm>> -> memref<2048xf32, #tpu.memory_space<hbm>>
      %dma_start3A_23 = tpu.memref_slice %arg2[%mul3A_5] : memref<524288xf32, #tpu.memory_space<hbm>> -> memref<2048xf32, #tpu.memory_space<hbm>>
      tpu.enqueue_dma source(%dma_start3A_23 : memref<2048xf32, #tpu.memory_space<hbm>>) target(%arg5 : memref<2048xf32, #tpu.memory_space<vmem>>) target_semaphore(%run_scoped3A : memref<!tpu.dma_semaphore, #tpu.memory_space<semaphore_mem>>)
      %dma_wait3A_24 = tpu.memref_slice %arg2[%mul3A_5] : memref<524288xf32, #tpu.memory_space<hbm>> -> memref<2048xf32, #tpu.memory_space<hbm>>
      %dma_wait3A_25 = tpu.memref_slice %arg2[%mul3A_5] : memref<524288xf32, #tpu.memory_space<hbm>> -> memref<2048xf32, #tpu.memory_space<hbm>>
      tpu.wait_dma2 semaphore(%run_scoped3A : memref<!tpu.dma_semaphore, #tpu.memory_space<semaphore_mem>>) src(%dma_wait3A_25 : memref<2048xf32, #tpu.memory_space<hbm>>) dst(%arg5 : memref<2048xf32, #tpu.memory_space<vmem>>)
      tpu.yield
    }) : () -> ()
    %parallel_loop3A = arith.constant 0 : i32
    %parallel_loop3A_6 = arith.constant 40 : i32
    %parallel_loop3A_7 = arith.constant 1 : i32
    scf.for %parallel_loop3A_22 = %parallel_loop3A to %parallel_loop3A_6 step %parallel_loop3A_7  : i32 {
      %parallel_loop3A_23 = arith.constant 0.000000e+00 : f32
      %parallel_loop3A_24 = vector.broadcast %parallel_loop3A_23 : f32 to vector<16xf32>
      %parallel_loop3A_25 = arith.constant 16 : i32
      %parallel_loop3A_26 = arith.muli %parallel_loop3A_22, %parallel_loop3A_25 : i32
      %parallel_loop3A_27 = arith.index_cast %parallel_loop3A_26 : i32 to index
      %parallel_loop3A_28 = tpu.vector_load %arg8[%parallel_loop3A_27] {strides = array<i32>} : memref<640xf32, #tpu.memory_space<vmem>>, vector<16xf32>,
      tpu.vector_store %arg8[%parallel_loop3A_27], %parallel_loop3A_24 {strides = array<i32>} : memref<640xf32, #tpu.memory_space<vmem>>, vector<16xf32>,
    } {sc.loop_unroll_factor = 8 : i64, sc.parallel_access}
    %parallel_loop3A_8 = arith.constant 0 : i32
    %parallel_loop3A_9 = arith.constant 128 : i32
    %parallel_loop3A_10 = arith.constant 1 : i32
    scf.for %parallel_loop3A_22 = %parallel_loop3A_8 to %parallel_loop3A_9 step %parallel_loop3A_10  : i32 {
      %parallel_loop3A_23 = arith.constant 16 : i32
      %parallel_loop3A_24 = arith.muli %parallel_loop3A_22, %parallel_loop3A_23 : i32
      %parallel_loop3A_25 = arith.index_cast %parallel_loop3A_24 : i32 to index
      %parallel_loop3A_26 = tpu.vector_load %arg5[%parallel_loop3A_25] {strides = array<i32>} : memref<2048xf32, #tpu.memory_space<vmem>>, vector<16xf32>,
      %parallel_loop3A_27 = arith.constant 3.14159274 : f32
      %parallel_loop3A_28 = vector.broadcast %parallel_loop3A_27 : f32 to vector<16xf32>
      %parallel_loop3A_29 = arith.addf %parallel_loop3A_26, %parallel_loop3A_28 : vector<16xf32>
      %parallel_loop3A_30 = arith.constant 2.86478901 : f32
      %parallel_loop3A_31 = vector.broadcast %parallel_loop3A_30 : f32 to vector<16xf32>
      %parallel_loop3A_32 = arith.mulf %parallel_loop3A_29, %parallel_loop3A_31 : vector<16xf32>
      %parallel_loop3A_33 = arith.fptosi %parallel_loop3A_32 : vector<16xf32> to vector<16xi32>
      %parallel_loop3A_34 = arith.constant 18 : i32
      %parallel_loop3A_35 = vector.broadcast %parallel_loop3A_34 : i32 to vector<16xi32>
      %parallel_loop3A_36 = arith.minsi %parallel_loop3A_33, %parallel_loop3A_35 : vector<16xi32>
      %parallel_loop3A_37 = arith.constant 0.000000e+00 : f32
      %parallel_loop3A_38 = vector.broadcast %parallel_loop3A_37 : f32 to vector<16xf32>
      %parallel_loop3A_39 = arith.cmpf olt, %parallel_loop3A_32, %parallel_loop3A_38 : vector<16xf32>
      %parallel_loop3A_40 = arith.constant 18 : i32
      %parallel_loop3A_41 = vector.broadcast %parallel_loop3A_40 : i32 to vector<16xi32>
      %parallel_loop3A_42 = arith.select %parallel_loop3A_39, %parallel_loop3A_41, %parallel_loop3A_36 : vector<16xi1>, vector<16xi32>
      %parallel_loop3A_43 = arith.constant 32 : i32
      %parallel_loop3A_44 = vector.broadcast %parallel_loop3A_43 : i32 to vector<16xi32>
      %parallel_loop3A_45 = arith.muli %parallel_loop3A_42, %parallel_loop3A_44 : vector<16xi32>
      %parallel_loop3A_46 = arith.constant 16 : i32
      %parallel_loop3A_47 = arith.muli %parallel_loop3A_22, %parallel_loop3A_46 : i32
      %parallel_loop3A_48 = arith.index_cast %parallel_loop3A_47 : i32 to index
      %parallel_loop3A_49 = tpu.vector_load %arg6[%parallel_loop3A_48] {strides = array<i32>} : memref<2048xi32, #tpu.memory_space<vmem>>, vector<16xi32>,
      tpu.vector_store %arg6[%parallel_loop3A_48], %parallel_loop3A_45 {strides = array<i32>} : memref<2048xi32, #tpu.memory_space<vmem>>, vector<16xi32>,
    } {sc.loop_unroll_factor = 4 : i64, sc.parallel_access}
    %dma_wait3A = arith.constant 0 : i32
    %dma_wait3A_11 = tpu.memref_slice %arg3[%dma_wait3A] : memref<65536xf32, #tpu.memory_space<hbm>> -> memref<65536xf32, #tpu.memory_space<hbm>>
    %dma_wait3A_12 = arith.constant 0 : i32
    %dma_wait3A_13 = tpu.memref_slice %arg3[%dma_wait3A_12] : memref<65536xf32, #tpu.memory_space<hbm>> -> memref<65536xf32, #tpu.memory_space<hbm>>
    tpu.wait_dma2 semaphore(%arg9 : memref<!tpu.dma_semaphore, #tpu.memory_space<semaphore_mem>>) src(%dma_wait3A_13 : memref<65536xf32, #tpu.memory_space<hbm>>) dst(%arg7 : memref<65536xf32, #tpu.memory_space<vmem>>)
    %iota3A = tpu.iota {dimensions = array<i32: 0>} : vector<16xi32>
    %add3A_14 = arith.constant 16 : i32
    %add3A_15 = vector.broadcast %add3A_14 : i32 to vector<16xi32>
    %add3A_16 = arith.addi %iota3A, %add3A_15 : vector<16xi32>
    %parallel_loop3A_17 = arith.constant 0 : i32
    %parallel_loop3A_18 = arith.constant 128 : i32
    %parallel_loop3A_19 = arith.constant 1 : i32
    scf.for %parallel_loop3A_22 = %parallel_loop3A_17 to %parallel_loop3A_18 step %parallel_loop3A_19  : i32 {
      %parallel_loop3A_23 = arith.constant 16 : i32
      %parallel_loop3A_24 = arith.muli %parallel_loop3A_22, %parallel_loop3A_23 : i32
      %parallel_loop3A_25 = arith.index_cast %parallel_loop3A_24 : i32 to index
      %parallel_loop3A_26 = tpu.vector_load %arg6[%parallel_loop3A_25] {strides = array<i32>} : memref<2048xi32, #tpu.memory_space<vmem>>, vector<16xi32>,
      %parallel_loop3A_27 = arith.constant 512 : i32
      %parallel_loop3A_28 = arith.muli %parallel_loop3A_22, %parallel_loop3A_27 : i32
      %parallel_loop3A_29 = arith.constant 0 : i32
      %parallel_loop3A_30 = vector.broadcast %parallel_loop3A_29 : i32 to vector<16xi32>
      %parallel_loop3A_31 = vector.shape_cast %parallel_loop3A_30 : vector<16xi32> to vector<16x1xi32>
      %parallel_loop3A_32 = vector.shape_cast %parallel_loop3A_31 : vector<16x1xi32> to vector<16xi32>
      %parallel_loop3A_33 = tpu.dynamic_gather %parallel_loop3A_26[%parallel_loop3A_32] in [0] : vector<16xi32>, vector<16xi32> -> vector<16xi32>
      %parallel_loop3A_34 = arith.constant 0 : i32
      %parallel_loop3A_35 = arith.addi %parallel_loop3A_28, %parallel_loop3A_34 : i32
      %parallel_loop3A_36 = arith.index_cast %parallel_loop3A_35 : i32 to index
      %parallel_loop3A_37 = tpu.vector_load %arg7[%parallel_loop3A_36] {strides = array<i32>} : memref<65536xf32, #tpu.memory_space<vmem>>, vector<16xf32>,
      %parallel_loop3A_38 = arith.constant 0 : i32
      %parallel_loop3A_39 = arith.addi %parallel_loop3A_28, %parallel_loop3A_38 : i32
      %parallel_loop3A_40 = arith.constant 16 : i32
      %parallel_loop3A_41 = arith.addi %parallel_loop3A_39, %parallel_loop3A_40 : i32
      %parallel_loop3A_42 = arith.index_cast %parallel_loop3A_41 : i32 to index
      %parallel_loop3A_43 = tpu.vector_load %arg7[%parallel_loop3A_42] {strides = array<i32>} : memref<65536xf32, #tpu.memory_space<vmem>>, vector<16xf32>,
      %parallel_loop3A_44 = arith.addi %iota3A, %parallel_loop3A_33 : vector<16xi32>
      tpu.vector_store_idx %arg8[%parallel_loop3A_44], %parallel_loop3A_37 {add = true} : memref<640xf32, #tpu.memory_space<vmem>>[vector<16xi32>], vector<16xf32>,
      %parallel_loop3A_45 = arith.addi %add3A_16, %parallel_loop3A_33 : vector<16xi32>
      tpu.vector_store_idx %arg8[%parallel_loop3A_45], %parallel_loop3A_43 {add = true} : memref<640xf32, #tpu.memory_space<vmem>>[vector<16xi32>], vector<16xf32>,
      %parallel_loop3A_46 = arith.constant 1 : i32
      %parallel_loop3A_47 = vector.broadcast %parallel_loop3A_46 : i32 to vector<16xi32>
      %parallel_loop3A_48 = vector.shape_cast %parallel_loop3A_47 : vector<16xi32> to vector<16x1xi32>
      %parallel_loop3A_49 = vector.shape_cast %parallel_loop3A_48 : vector<16x1xi32> to vector<16xi32>
      %parallel_loop3A_50 = tpu.dynamic_gather %parallel_loop3A_26[%parallel_loop3A_49] in [0] : vector<16xi32>, vector<16xi32> -> vector<16xi32>
      %parallel_loop3A_51 = arith.constant 32 : i32
      %parallel_loop3A_52 = arith.addi %parallel_loop3A_28, %parallel_loop3A_51 : i32
      %parallel_loop3A_53 = arith.index_cast %parallel_loop3A_52 : i32 to index
      %parallel_loop3A_54 = tpu.vector_load %arg7[%parallel_loop3A_53] {strides = array<i32>} : memref<65536xf32, #tpu.memory_space<vmem>>, vector<16xf32>,
      %parallel_loop3A_55 = arith.constant 32 : i32
      %parallel_loop3A_56 = arith.addi %parallel_loop3A_28, %parallel_loop3A_55 : i32
      %parallel_loop3A_57 = arith.constant 16 : i32
      %parallel_loop3A_58 = arith.addi %parallel_loop3A_56, %parallel_loop3A_57 : i32
      %parallel_loop3A_59 = arith.index_cast %parallel_loop3A_58 : i32 to index
      %parallel_loop3A_60 = tpu.vector_load %arg7[%parallel_loop3A_59] {strides = array<i32>} : memref<65536xf32, #tpu.memory_space<vmem>>, vector<16xf32>,
      %parallel_loop3A_61 = arith.addi %iota3A, %parallel_loop3A_50 : vector<16xi32>
      tpu.vector_store_idx %arg8[%parallel_loop3A_61], %parallel_loop3A_54 {add = true} : memref<640xf32, #tpu.memory_space<vmem>>[vector<16xi32>], vector<16xf32>,
      %parallel_loop3A_62 = arith.addi %add3A_16, %parallel_loop3A_50 : vector<16xi32>
      tpu.vector_store_idx %arg8[%parallel_loop3A_62], %parallel_loop3A_60 {add = true} : memref<640xf32, #tpu.memory_space<vmem>>[vector<16xi32>], vector<16xf32>,
      %parallel_loop3A_63 = arith.constant 2 : i32
      %parallel_loop3A_64 = vector.broadcast %parallel_loop3A_63 : i32 to vector<16xi32>
      %parallel_loop3A_65 = vector.shape_cast %parallel_loop3A_64 : vector<16xi32> to vector<16x1xi32>
      %parallel_loop3A_66 = vector.shape_cast %parallel_loop3A_65 : vector<16x1xi32> to vector<16xi32>
      %parallel_loop3A_67 = tpu.dynamic_gather %parallel_loop3A_26[%parallel_loop3A_66] in [0] : vector<16xi32>, vector<16xi32> -> vector<16xi32>
      %parallel_loop3A_68 = arith.constant 64 : i32
      %parallel_loop3A_69 = arith.addi %parallel_loop3A_28, %parallel_loop3A_68 : i32
      %parallel_loop3A_70 = arith.index_cast %parallel_loop3A_69 : i32 to index
      %parallel_loop3A_71 = tpu.vector_load %arg7[%parallel_loop3A_70] {strides = array<i32>} : memref<65536xf32, #tpu.memory_space<vmem>>, vector<16xf32>,
      %parallel_loop3A_72 = arith.constant 64 : i32
      %parallel_loop3A_73 = arith.addi %parallel_loop3A_28, %parallel_loop3A_72 : i32
      %parallel_loop3A_74 = arith.constant 16 : i32
      %parallel_loop3A_75 = arith.addi %parallel_loop3A_73, %parallel_loop3A_74 : i32
      %parallel_loop3A_76 = arith.index_cast %parallel_loop3A_75 : i32 to index
      %parallel_loop3A_77 = tpu.vector_load %arg7[%parallel_loop3A_76] {strides = array<i32>} : memref<65536xf32, #tpu.memory_space<vmem>>, vector<16xf32>,
      %parallel_loop3A_78 = arith.addi %iota3A, %parallel_loop3A_67 : vector<16xi32>
      tpu.vector_store_idx %arg8[%parallel_loop3A_78], %parallel_loop3A_71 {add = true} : memref<640xf32, #tpu.memory_space<vmem>>[vector<16xi32>], vector<16xf32>,
      %parallel_loop3A_79 = arith.addi %add3A_16, %parallel_loop3A_67 : vector<16xi32>
      tpu.vector_store_idx %arg8[%parallel_loop3A_79], %parallel_loop3A_77 {add = true} : memref<640xf32, #tpu.memory_space<vmem>>[vector<16xi32>], vector<16xf32>,
      %parallel_loop3A_80 = arith.constant 3 : i32
      %parallel_loop3A_81 = vector.broadcast %parallel_loop3A_80 : i32 to vector<16xi32>
      %parallel_loop3A_82 = vector.shape_cast %parallel_loop3A_81 : vector<16xi32> to vector<16x1xi32>
      %parallel_loop3A_83 = vector.shape_cast %parallel_loop3A_82 : vector<16x1xi32> to vector<16xi32>
      %parallel_loop3A_84 = tpu.dynamic_gather %parallel_loop3A_26[%parallel_loop3A_83] in [0] : vector<16xi32>, vector<16xi32> -> vector<16xi32>
      %parallel_loop3A_85 = arith.constant 96 : i32
      %parallel_loop3A_86 = arith.addi %parallel_loop3A_28, %parallel_loop3A_85 : i32
      %parallel_loop3A_87 = arith.index_cast %parallel_loop3A_86 : i32 to index
      %parallel_loop3A_88 = tpu.vector_load %arg7[%parallel_loop3A_87] {strides = array<i32>} : memref<65536xf32, #tpu.memory_space<vmem>>, vector<16xf32>,
      %parallel_loop3A_89 = arith.constant 96 : i32
      %parallel_loop3A_90 = arith.addi %parallel_loop3A_28, %parallel_loop3A_89 : i32
      %parallel_loop3A_91 = arith.constant 16 : i32
      %parallel_loop3A_92 = arith.addi %parallel_loop3A_90, %parallel_loop3A_91 : i32
      %parallel_loop3A_93 = arith.index_cast %parallel_loop3A_92 : i32 to index
      %parallel_loop3A_94 = tpu.vector_load %arg7[%parallel_loop3A_93] {strides = array<i32>} : memref<65536xf32, #tpu.memory_space<vmem>>, vector<16xf32>,
      %parallel_loop3A_95 = arith.addi %iota3A, %parallel_loop3A_84 : vector<16xi32>
      tpu.vector_store_idx %arg8[%parallel_loop3A_95], %parallel_loop3A_88 {add = true} : memref<640xf32, #tpu.memory_space<vmem>>[vector<16xi32>], vector<16xf32>,
      %parallel_loop3A_96 = arith.addi %add3A_16, %parallel_loop3A_84 : vector<16xi32>
      tpu.vector_store_idx %arg8[%parallel_loop3A_96], %parallel_loop3A_94 {add = true} : memref<640xf32, #tpu.memory_space<vmem>>[vector<16xi32>], vector<16xf32>,
      %parallel_loop3A_97 = arith.constant 4 : i32
      %parallel_loop3A_98 = vector.broadcast %parallel_loop3A_97 : i32 to vector<16xi32>
      %parallel_loop3A_99 = vector.shape_cast %parallel_loop3A_98 : vector<16xi32> to vector<16x1xi32>
      %parallel_loop3A_100 = vector.shape_cast %parallel_loop3A_99 : vector<16x1xi32> to vector<16xi32>
      %parallel_loop3A_101 = tpu.dynamic_gather %parallel_loop3A_26[%parallel_loop3A_100] in [0] : vector<16xi32>, vector<16xi32> -> vector<16xi32>
      %parallel_loop3A_102 = arith.constant 128 : i32
      %parallel_loop3A_103 = arith.addi %parallel_loop3A_28, %parallel_loop3A_102 : i32
      %parallel_loop3A_104 = arith.index_cast %parallel_loop3A_103 : i32 to index
      %parallel_loop3A_105 = tpu.vector_load %arg7[%parallel_loop3A_104] {strides = array<i32>} : memref<65536xf32, #tpu.memory_space<vmem>>, vector<16xf32>,
      %parallel_loop3A_106 = arith.constant 128 : i32
      %parallel_loop3A_107 = arith.addi %parallel_loop3A_28, %parallel_loop3A_106 : i32
      %parallel_loop3A_108 = arith.constant 16 : i32
      %parallel_loop3A_109 = arith.addi %parallel_loop3A_107, %parallel_loop3A_108 : i32
      %parallel_loop3A_110 = arith.index_cast %parallel_loop3A_109 : i32 to index
      %parallel_loop3A_111 = tpu.vector_load %arg7[%parallel_loop3A_110] {strides = array<i32>} : memref<65536xf32, #tpu.memory_space<vmem>>, vector<16xf32>,
      %parallel_loop3A_112 = arith.addi %iota3A, %parallel_loop3A_101 : vector<16xi32>
      tpu.vector_store_idx %arg8[%parallel_loop3A_112], %parallel_loop3A_105 {add = true} : memref<640xf32, #tpu.memory_space<vmem>>[vector<16xi32>], vector<16xf32>,
      %parallel_loop3A_113 = arith.addi %add3A_16, %parallel_loop3A_101 : vector<16xi32>
      tpu.vector_store_idx %arg8[%parallel_loop3A_113], %parallel_loop3A_111 {add = true} : memref<640xf32, #tpu.memory_space<vmem>>[vector<16xi32>], vector<16xf32>,
      %parallel_loop3A_114 = arith.constant 5 : i32
      %parallel_loop3A_115 = vector.broadcast %parallel_loop3A_114 : i32 to vector<16xi32>
      %parallel_loop3A_116 = vector.shape_cast %parallel_loop3A_115 : vector<16xi32> to vector<16x1xi32>
      %parallel_loop3A_117 = vector.shape_cast %parallel_loop3A_116 : vector<16x1xi32> to vector<16xi32>
      %parallel_loop3A_118 = tpu.dynamic_gather %parallel_loop3A_26[%parallel_loop3A_117] in [0] : vector<16xi32>, vector<16xi32> -> vector<16xi32>
      %parallel_loop3A_119 = arith.constant 160 : i32
      %parallel_loop3A_120 = arith.addi %parallel_loop3A_28, %parallel_loop3A_119 : i32
      %parallel_loop3A_121 = arith.index_cast %parallel_loop3A_120 : i32 to index
      %parallel_loop3A_122 = tpu.vector_load %arg7[%parallel_loop3A_121] {strides = array<i32>} : memref<65536xf32, #tpu.memory_space<vmem>>, vector<16xf32>,
      %parallel_loop3A_123 = arith.constant 160 : i32
      %parallel_loop3A_124 = arith.addi %parallel_loop3A_28, %parallel_loop3A_123 : i32
      %parallel_loop3A_125 = arith.constant 16 : i32
      %parallel_loop3A_126 = arith.addi %parallel_loop3A_124, %parallel_loop3A_125 : i32
      %parallel_loop3A_127 = arith.index_cast %parallel_loop3A_126 : i32 to index
      %parallel_loop3A_128 = tpu.vector_load %arg7[%parallel_loop3A_127] {strides = array<i32>} : memref<65536xf32, #tpu.memory_space<vmem>>, vector<16xf32>,
      %parallel_loop3A_129 = arith.addi %iota3A, %parallel_loop3A_118 : vector<16xi32>
      tpu.vector_store_idx %arg8[%parallel_loop3A_129], %parallel_loop3A_122 {add = true} : memref<640xf32, #tpu.memory_space<vmem>>[vector<16xi32>], vector<16xf32>,
      %parallel_loop3A_130 = arith.addi %add3A_16, %parallel_loop3A_118 : vector<16xi32>
      tpu.vector_store_idx %arg8[%parallel_loop3A_130], %parallel_loop3A_128 {add = true} : memref<640xf32, #tpu.memory_space<vmem>>[vector<16xi32>], vector<16xf32>,
      %parallel_loop3A_131 = arith.constant 6 : i32
      %parallel_loop3A_132 = vector.broadcast %parallel_loop3A_131 : i32 to vector<16xi32>
      %parallel_loop3A_133 = vector.shape_cast %parallel_loop3A_132 : vector<16xi32> to vector<16x1xi32>
      %parallel_loop3A_134 = vector.shape_cast %parallel_loop3A_133 : vector<16x1xi32> to vector<16xi32>
      %parallel_loop3A_135 = tpu.dynamic_gather %parallel_loop3A_26[%parallel_loop3A_134] in [0] : vector<16xi32>, vector<16xi32> -> vector<16xi32>
      %parallel_loop3A_136 = arith.constant 192 : i32
      %parallel_loop3A_137 = arith.addi %parallel_loop3A_28, %parallel_loop3A_136 : i32
      %parallel_loop3A_138 = arith.index_cast %parallel_loop3A_137 : i32 to index
      %parallel_loop3A_139 = tpu.vector_load %arg7[%parallel_loop3A_138] {strides = array<i32>} : memref<65536xf32, #tpu.memory_space<vmem>>, vector<16xf32>,
      %parallel_loop3A_140 = arith.constant 192 : i32
      %parallel_loop3A_141 = arith.addi %parallel_loop3A_28, %parallel_loop3A_140 : i32
      %parallel_loop3A_142 = arith.constant 16 : i32
      %parallel_loop3A_143 = arith.addi %parallel_loop3A_141, %parallel_loop3A_142 : i32
      %parallel_loop3A_144 = arith.index_cast %parallel_loop3A_143 : i32 to index
      %parallel_loop3A_145 = tpu.vector_load %arg7[%parallel_loop3A_144] {strides = array<i32>} : memref<65536xf32, #tpu.memory_space<vmem>>, vector<16xf32>,
      %parallel_loop3A_146 = arith.addi %iota3A, %parallel_loop3A_135 : vector<16xi32>
      tpu.vector_store_idx %arg8[%parallel_loop3A_146], %parallel_loop3A_139 {add = true} : memref<640xf32, #tpu.memory_space<vmem>>[vector<16xi32>], vector<16xf32>,
      %parallel_loop3A_147 = arith.addi %add3A_16, %parallel_loop3A_135 : vector<16xi32>
      tpu.vector_store_idx %arg8[%parallel_loop3A_147], %parallel_loop3A_145 {add = true} : memref<640xf32, #tpu.memory_space<vmem>>[vector<16xi32>], vector<16xf32>,
      %parallel_loop3A_148 = arith.constant 7 : i32
      %parallel_loop3A_149 = vector.broadcast %parallel_loop3A_148 : i32 to vector<16xi32>
      %parallel_loop3A_150 = vector.shape_cast %parallel_loop3A_149 : vector<16xi32> to vector<16x1xi32>
      %parallel_loop3A_151 = vector.shape_cast %parallel_loop3A_150 : vector<16x1xi32> to vector<16xi32>
      %parallel_loop3A_152 = tpu.dynamic_gather %parallel_loop3A_26[%parallel_loop3A_151] in [0] : vector<16xi32>, vector<16xi32> -> vector<16xi32>
      %parallel_loop3A_153 = arith.constant 224 : i32
      %parallel_loop3A_154 = arith.addi %parallel_loop3A_28, %parallel_loop3A_153 : i32
      %parallel_loop3A_155 = arith.index_cast %parallel_loop3A_154 : i32 to index
      %parallel_loop3A_156 = tpu.vector_load %arg7[%parallel_loop3A_155] {strides = array<i32>} : memref<65536xf32, #tpu.memory_space<vmem>>, vector<16xf32>,
      %parallel_loop3A_157 = arith.constant 224 : i32
      %parallel_loop3A_158 = arith.addi %parallel_loop3A_28, %parallel_loop3A_157 : i32
      %parallel_loop3A_159 = arith.constant 16 : i32
      %parallel_loop3A_160 = arith.addi %parallel_loop3A_158, %parallel_loop3A_159 : i32
      %parallel_loop3A_161 = arith.index_cast %parallel_loop3A_160 : i32 to index
      %parallel_loop3A_162 = tpu.vector_load %arg7[%parallel_loop3A_161] {strides = array<i32>} : memref<65536xf32, #tpu.memory_space<vmem>>, vector<16xf32>,
      %parallel_loop3A_163 = arith.addi %iota3A, %parallel_loop3A_152 : vector<16xi32>
      tpu.vector_store_idx %arg8[%parallel_loop3A_163], %parallel_loop3A_156 {add = true} : memref<640xf32, #tpu.memory_space<vmem>>[vector<16xi32>], vector<16xf32>,
      %parallel_loop3A_164 = arith.addi %add3A_16, %parallel_loop3A_152 : vector<16xi32>
      tpu.vector_store_idx %arg8[%parallel_loop3A_164], %parallel_loop3A_162 {add = true} : memref<640xf32, #tpu.memory_space<vmem>>[vector<16xi32>], vector<16xf32>,
      %parallel_loop3A_165 = arith.constant 8 : i32
      %parallel_loop3A_166 = vector.broadcast %parallel_loop3A_165 : i32 to vector<16xi32>
      %parallel_loop3A_167 = vector.shape_cast %parallel_loop3A_166 : vector<16xi32> to vector<16x1xi32>
      %parallel_loop3A_168 = vector.shape_cast %parallel_loop3A_167 : vector<16x1xi32> to vector<16xi32>
      %parallel_loop3A_169 = tpu.dynamic_gather %parallel_loop3A_26[%parallel_loop3A_168] in [0] : vector<16xi32>, vector<16xi32> -> vector<16xi32>
      %parallel_loop3A_170 = arith.constant 256 : i32
      %parallel_loop3A_171 = arith.addi %parallel_loop3A_28, %parallel_loop3A_170 : i32
      %parallel_loop3A_172 = arith.index_cast %parallel_loop3A_171 : i32 to index
      %parallel_loop3A_173 = tpu.vector_load %arg7[%parallel_loop3A_172] {strides = array<i32>} : memref<65536xf32, #tpu.memory_space<vmem>>, vector<16xf32>,
      %parallel_loop3A_174 = arith.constant 256 : i32
      %parallel_loop3A_175 = arith.addi %parallel_loop3A_28, %parallel_loop3A_174 : i32
      %parallel_loop3A_176 = arith.constant 16 : i32
      %parallel_loop3A_177 = arith.addi %parallel_loop3A_175, %parallel_loop3A_176 : i32
      %parallel_loop3A_178 = arith.index_cast %parallel_loop3A_177 : i32 to index
      %parallel_loop3A_179 = tpu.vector_load %arg7[%parallel_loop3A_178] {strides = array<i32>} : memref<65536xf32, #tpu.memory_space<vmem>>, vector<16xf32>,
      %parallel_loop3A_180 = arith.addi %iota3A, %parallel_loop3A_169 : vector<16xi32>
      tpu.vector_store_idx %arg8[%parallel_loop3A_180], %parallel_loop3A_173 {add = true} : memref<640xf32, #tpu.memory_space<vmem>>[vector<16xi32>], vector<16xf32>,
      %parallel_loop3A_181 = arith.addi %add3A_16, %parallel_loop3A_169 : vector<16xi32>
      tpu.vector_store_idx %arg8[%parallel_loop3A_181], %parallel_loop3A_179 {add = true} : memref<640xf32, #tpu.memory_space<vmem>>[vector<16xi32>], vector<16xf32>,
      %parallel_loop3A_182 = arith.constant 9 : i32
      %parallel_loop3A_183 = vector.broadcast %parallel_loop3A_182 : i32 to vector<16xi32>
      %parallel_loop3A_184 = vector.shape_cast %parallel_loop3A_183 : vector<16xi32> to vector<16x1xi32>
      %parallel_loop3A_185 = vector.shape_cast %parallel_loop3A_184 : vector<16x1xi32> to vector<16xi32>
      %parallel_loop3A_186 = tpu.dynamic_gather %parallel_loop3A_26[%parallel_loop3A_185] in [0] : vector<16xi32>, vector<16xi32> -> vector<16xi32>
      %parallel_loop3A_187 = arith.constant 288 : i32
      %parallel_loop3A_188 = arith.addi %parallel_loop3A_28, %parallel_loop3A_187 : i32
      %parallel_loop3A_189 = arith.index_cast %parallel_loop3A_188 : i32 to index
      %parallel_loop3A_190 = tpu.vector_load %arg7[%parallel_loop3A_189] {strides = array<i32>} : memref<65536xf32, #tpu.memory_space<vmem>>, vector<16xf32>,
      %parallel_loop3A_191 = arith.constant 288 : i32
      %parallel_loop3A_192 = arith.addi %parallel_loop3A_28, %parallel_loop3A_191 : i32
      %parallel_loop3A_193 = arith.constant 16 : i32
      %parallel_loop3A_194 = arith.addi %parallel_loop3A_192, %parallel_loop3A_193 : i32
      %parallel_loop3A_195 = arith.index_cast %parallel_loop3A_194 : i32 to index
      %parallel_loop3A_196 = tpu.vector_load %arg7[%parallel_loop3A_195] {strides = array<i32>} : memref<65536xf32, #tpu.memory_space<vmem>>, vector<16xf32>,
      %parallel_loop3A_197 = arith.addi %iota3A, %parallel_loop3A_186 : vector<16xi32>
      tpu.vector_store_idx %arg8[%parallel_loop3A_197], %parallel_loop3A_190 {add = true} : memref<640xf32, #tpu.memory_space<vmem>>[vector<16xi32>], vector<16xf32>,
      %parallel_loop3A_198 = arith.addi %add3A_16, %parallel_loop3A_186 : vector<16xi32>
      tpu.vector_store_idx %arg8[%parallel_loop3A_198], %parallel_loop3A_196 {add = true} : memref<640xf32, #tpu.memory_space<vmem>>[vector<16xi32>], vector<16xf32>,
      %parallel_loop3A_199 = arith.constant 10 : i32
      %parallel_loop3A_200 = vector.broadcast %parallel_loop3A_199 : i32 to vector<16xi32>
      %parallel_loop3A_201 = vector.shape_cast %parallel_loop3A_200 : vector<16xi32> to vector<16x1xi32>
      %parallel_loop3A_202 = vector.shape_cast %parallel_loop3A_201 : vector<16x1xi32> to vector<16xi32>
      %parallel_loop3A_203 = tpu.dynamic_gather %parallel_loop3A_26[%parallel_loop3A_202] in [0] : vector<16xi32>, vector<16xi32> -> vector<16xi32>
      %parallel_loop3A_204 = arith.constant 320 : i32
      %parallel_loop3A_205 = arith.addi %parallel_loop3A_28, %parallel_loop3A_204 : i32
      %parallel_loop3A_206 = arith.index_cast %parallel_loop3A_205 : i32 to index
      %parallel_loop3A_207 = tpu.vector_load %arg7[%parallel_loop3A_206] {strides = array<i32>} : memref<65536xf32, #tpu.memory_space<vmem>>, vector<16xf32>,
      %parallel_loop3A_208 = arith.constant 320 : i32
      %parallel_loop3A_209 = arith.addi %parallel_loop3A_28, %parallel_loop3A_208 : i32
      %parallel_loop3A_210 = arith.constant 16 : i32
      %parallel_loop3A_211 = arith.addi %parallel_loop3A_209, %parallel_loop3A_210 : i32
      %parallel_loop3A_212 = arith.index_cast %parallel_loop3A_211 : i32 to index
      %parallel_loop3A_213 = tpu.vector_load %arg7[%parallel_loop3A_212] {strides = array<i32>} : memref<65536xf32, #tpu.memory_space<vmem>>, vector<16xf32>,
      %parallel_loop3A_214 = arith.addi %iota3A, %parallel_loop3A_203 : vector<16xi32>
      tpu.vector_store_idx %arg8[%parallel_loop3A_214], %parallel_loop3A_207 {add = true} : memref<640xf32, #tpu.memory_space<vmem>>[vector<16xi32>], vector<16xf32>,
      %parallel_loop3A_215 = arith.addi %add3A_16, %parallel_loop3A_203 : vector<16xi32>
      tpu.vector_store_idx %arg8[%parallel_loop3A_215], %parallel_loop3A_213 {add = true} : memref<640xf32, #tpu.memory_space<vmem>>[vector<16xi32>], vector<16xf32>,
      %parallel_loop3A_216 = arith.constant 11 : i32
      %parallel_loop3A_217 = vector.broadcast %parallel_loop3A_216 : i32 to vector<16xi32>
      %parallel_loop3A_218 = vector.shape_cast %parallel_loop3A_217 : vector<16xi32> to vector<16x1xi32>
      %parallel_loop3A_219 = vector.shape_cast %parallel_loop3A_218 : vector<16x1xi32> to vector<16xi32>
      %parallel_loop3A_220 = tpu.dynamic_gather %parallel_loop3A_26[%parallel_loop3A_219] in [0] : vector<16xi32>, vector<16xi32> -> vector<16xi32>
      %parallel_loop3A_221 = arith.constant 352 : i32
      %parallel_loop3A_222 = arith.addi %parallel_loop3A_28, %parallel_loop3A_221 : i32
      %parallel_loop3A_223 = arith.index_cast %parallel_loop3A_222 : i32 to index
      %parallel_loop3A_224 = tpu.vector_load %arg7[%parallel_loop3A_223] {strides = array<i32>} : memref<65536xf32, #tpu.memory_space<vmem>>, vector<16xf32>,
      %parallel_loop3A_225 = arith.constant 352 : i32
      %parallel_loop3A_226 = arith.addi %parallel_loop3A_28, %parallel_loop3A_225 : i32
      %parallel_loop3A_227 = arith.constant 16 : i32
      %parallel_loop3A_228 = arith.addi %parallel_loop3A_226, %parallel_loop3A_227 : i32
      %parallel_loop3A_229 = arith.index_cast %parallel_loop3A_228 : i32 to index
      %parallel_loop3A_230 = tpu.vector_load %arg7[%parallel_loop3A_229] {strides = array<i32>} : memref<65536xf32, #tpu.memory_space<vmem>>, vector<16xf32>,
      %parallel_loop3A_231 = arith.addi %iota3A, %parallel_loop3A_220 : vector<16xi32>
      tpu.vector_store_idx %arg8[%parallel_loop3A_231], %parallel_loop3A_224 {add = true} : memref<640xf32, #tpu.memory_space<vmem>>[vector<16xi32>], vector<16xf32>,
      %parallel_loop3A_232 = arith.addi %add3A_16, %parallel_loop3A_220 : vector<16xi32>
      tpu.vector_store_idx %arg8[%parallel_loop3A_232], %parallel_loop3A_230 {add = true} : memref<640xf32, #tpu.memory_space<vmem>>[vector<16xi32>], vector<16xf32>,
      %parallel_loop3A_233 = arith.constant 12 : i32
      %parallel_loop3A_234 = vector.broadcast %parallel_loop3A_233 : i32 to vector<16xi32>
      %parallel_loop3A_235 = vector.shape_cast %parallel_loop3A_234 : vector<16xi32> to vector<16x1xi32>
      %parallel_loop3A_236 = vector.shape_cast %parallel_loop3A_235 : vector<16x1xi32> to vector<16xi32>
      %parallel_loop3A_237 = tpu.dynamic_gather %parallel_loop3A_26[%parallel_loop3A_236] in [0] : vector<16xi32>, vector<16xi32> -> vector<16xi32>
      %parallel_loop3A_238 = arith.constant 384 : i32
      %parallel_loop3A_239 = arith.addi %parallel_loop3A_28, %parallel_loop3A_238 : i32
      %parallel_loop3A_240 = arith.index_cast %parallel_loop3A_239 : i32 to index
      %parallel_loop3A_241 = tpu.vector_load %arg7[%parallel_loop3A_240] {strides = array<i32>} : memref<65536xf32, #tpu.memory_space<vmem>>, vector<16xf32>,
      %parallel_loop3A_242 = arith.constant 384 : i32
      %parallel_loop3A_243 = arith.addi %parallel_loop3A_28, %parallel_loop3A_242 : i32
      %parallel_loop3A_244 = arith.constant 16 : i32
      %parallel_loop3A_245 = arith.addi %parallel_loop3A_243, %parallel_loop3A_244 : i32
      %parallel_loop3A_246 = arith.index_cast %parallel_loop3A_245 : i32 to index
      %parallel_loop3A_247 = tpu.vector_load %arg7[%parallel_loop3A_246] {strides = array<i32>} : memref<65536xf32, #tpu.memory_space<vmem>>, vector<16xf32>,
      %parallel_loop3A_248 = arith.addi %iota3A, %parallel_loop3A_237 : vector<16xi32>
      tpu.vector_store_idx %arg8[%parallel_loop3A_248], %parallel_loop3A_241 {add = true} : memref<640xf32, #tpu.memory_space<vmem>>[vector<16xi32>], vector<16xf32>,
      %parallel_loop3A_249 = arith.addi %add3A_16, %parallel_loop3A_237 : vector<16xi32>
      tpu.vector_store_idx %arg8[%parallel_loop3A_249], %parallel_loop3A_247 {add = true} : memref<640xf32, #tpu.memory_space<vmem>>[vector<16xi32>], vector<16xf32>,
      %parallel_loop3A_250 = arith.constant 13 : i32
      %parallel_loop3A_251 = vector.broadcast %parallel_loop3A_250 : i32 to vector<16xi32>
      %parallel_loop3A_252 = vector.shape_cast %parallel_loop3A_251 : vector<16xi32> to vector<16x1xi32>
      %parallel_loop3A_253 = vector.shape_cast %parallel_loop3A_252 : vector<16x1xi32> to vector<16xi32>
      %parallel_loop3A_254 = tpu.dynamic_gather %parallel_loop3A_26[%parallel_loop3A_253] in [0] : vector<16xi32>, vector<16xi32> -> vector<16xi32>
      %parallel_loop3A_255 = arith.constant 416 : i32
      %parallel_loop3A_256 = arith.addi %parallel_loop3A_28, %parallel_loop3A_255 : i32
      %parallel_loop3A_257 = arith.index_cast %parallel_loop3A_256 : i32 to index
      %parallel_loop3A_258 = tpu.vector_load %arg7[%parallel_loop3A_257] {strides = array<i32>} : memref<65536xf32, #tpu.memory_space<vmem>>, vector<16xf32>,
      %parallel_loop3A_259 = arith.constant 416 : i32
      %parallel_loop3A_260 = arith.addi %parallel_loop3A_28, %parallel_loop3A_259 : i32
      %parallel_loop3A_261 = arith.constant 16 : i32
      %parallel_loop3A_262 = arith.addi %parallel_loop3A_260, %parallel_loop3A_261 : i32
      %parallel_loop3A_263 = arith.index_cast %parallel_loop3A_262 : i32 to index
      %parallel_loop3A_264 = tpu.vector_load %arg7[%parallel_loop3A_263] {strides = array<i32>} : memref<65536xf32, #tpu.memory_space<vmem>>, vector<16xf32>,
      %parallel_loop3A_265 = arith.addi %iota3A, %parallel_loop3A_254 : vector<16xi32>
      tpu.vector_store_idx %arg8[%parallel_loop3A_265], %parallel_loop3A_258 {add = true} : memref<640xf32, #tpu.memory_space<vmem>>[vector<16xi32>], vector<16xf32>,
      %parallel_loop3A_266 = arith.addi %add3A_16, %parallel_loop3A_254 : vector<16xi32>
      tpu.vector_store_idx %arg8[%parallel_loop3A_266], %parallel_loop3A_264 {add = true} : memref<640xf32, #tpu.memory_space<vmem>>[vector<16xi32>], vector<16xf32>,
      %parallel_loop3A_267 = arith.constant 14 : i32
      %parallel_loop3A_268 = vector.broadcast %parallel_loop3A_267 : i32 to vector<16xi32>
      %parallel_loop3A_269 = vector.shape_cast %parallel_loop3A_268 : vector<16xi32> to vector<16x1xi32>
      %parallel_loop3A_270 = vector.shape_cast %parallel_loop3A_269 : vector<16x1xi32> to vector<16xi32>
      %parallel_loop3A_271 = tpu.dynamic_gather %parallel_loop3A_26[%parallel_loop3A_270] in [0] : vector<16xi32>, vector<16xi32> -> vector<16xi32>
      %parallel_loop3A_272 = arith.constant 448 : i32
      %parallel_loop3A_273 = arith.addi %parallel_loop3A_28, %parallel_loop3A_272 : i32
      %parallel_loop3A_274 = arith.index_cast %parallel_loop3A_273 : i32 to index
      %parallel_loop3A_275 = tpu.vector_load %arg7[%parallel_loop3A_274] {strides = array<i32>} : memref<65536xf32, #tpu.memory_space<vmem>>, vector<16xf32>,
      %parallel_loop3A_276 = arith.constant 448 : i32
      %parallel_loop3A_277 = arith.addi %parallel_loop3A_28, %parallel_loop3A_276 : i32
      %parallel_loop3A_278 = arith.constant 16 : i32
      %parallel_loop3A_279 = arith.addi %parallel_loop3A_277, %parallel_loop3A_278 : i32
      %parallel_loop3A_280 = arith.index_cast %parallel_loop3A_279 : i32 to index
      %parallel_loop3A_281 = tpu.vector_load %arg7[%parallel_loop3A_280] {strides = array<i32>} : memref<65536xf32, #tpu.memory_space<vmem>>, vector<16xf32>,
      %parallel_loop3A_282 = arith.addi %iota3A, %parallel_loop3A_271 : vector<16xi32>
      tpu.vector_store_idx %arg8[%parallel_loop3A_282], %parallel_loop3A_275 {add = true} : memref<640xf32, #tpu.memory_space<vmem>>[vector<16xi32>], vector<16xf32>,
      %parallel_loop3A_283 = arith.addi %add3A_16, %parallel_loop3A_271 : vector<16xi32>
      tpu.vector_store_idx %arg8[%parallel_loop3A_283], %parallel_loop3A_281 {add = true} : memref<640xf32, #tpu.memory_space<vmem>>[vector<16xi32>], vector<16xf32>,
      %parallel_loop3A_284 = arith.constant 15 : i32
      %parallel_loop3A_285 = vector.broadcast %parallel_loop3A_284 : i32 to vector<16xi32>
      %parallel_loop3A_286 = vector.shape_cast %parallel_loop3A_285 : vector<16xi32> to vector<16x1xi32>
      %parallel_loop3A_287 = vector.shape_cast %parallel_loop3A_286 : vector<16x1xi32> to vector<16xi32>
      %parallel_loop3A_288 = tpu.dynamic_gather %parallel_loop3A_26[%parallel_loop3A_287] in [0] : vector<16xi32>, vector<16xi32> -> vector<16xi32>
      %parallel_loop3A_289 = arith.constant 480 : i32
      %parallel_loop3A_290 = arith.addi %parallel_loop3A_28, %parallel_loop3A_289 : i32
      %parallel_loop3A_291 = arith.index_cast %parallel_loop3A_290 : i32 to index
      %parallel_loop3A_292 = tpu.vector_load %arg7[%parallel_loop3A_291] {strides = array<i32>} : memref<65536xf32, #tpu.memory_space<vmem>>, vector<16xf32>,
      %parallel_loop3A_293 = arith.constant 480 : i32
      %parallel_loop3A_294 = arith.addi %parallel_loop3A_28, %parallel_loop3A_293 : i32
      %parallel_loop3A_295 = arith.constant 16 : i32
      %parallel_loop3A_296 = arith.addi %parallel_loop3A_294, %parallel_loop3A_295 : i32
      %parallel_loop3A_297 = arith.index_cast %parallel_loop3A_296 : i32 to index
      %parallel_loop3A_298 = tpu.vector_load %arg7[%parallel_loop3A_297] {strides = array<i32>} : memref<65536xf32, #tpu.memory_space<vmem>>, vector<16xf32>,
      %parallel_loop3A_299 = arith.addi %iota3A, %parallel_loop3A_288 : vector<16xi32>
      tpu.vector_store_idx %arg8[%parallel_loop3A_299], %parallel_loop3A_292 {add = true} : memref<640xf32, #tpu.memory_space<vmem>>[vector<16xi32>], vector<16xf32>,
      %parallel_loop3A_300 = arith.addi %add3A_16, %parallel_loop3A_288 : vector<16xi32>
      tpu.vector_store_idx %arg8[%parallel_loop3A_300], %parallel_loop3A_298 {add = true} : memref<640xf32, #tpu.memory_space<vmem>>[vector<16xi32>], vector<16xf32>,
    } {sc.loop_unroll_factor = 4 : i64, sc.parallel_access}
    %mul3A_20 = arith.constant 640 : i32
    %mul3A_21 = arith.muli %add3A, %mul3A_20 : i32
    "tpu.region"() ({
      %run_scoped3A = tpu.sem_alloc : memref<!tpu.dma_semaphore, #tpu.memory_space<semaphore_mem>>
      %dma_start3A_22 = tpu.memref_slice %arg4[%mul3A_21] : memref<20480xf32, #tpu.memory_space<hbm>> -> memref<640xf32, #tpu.memory_space<hbm>>
      %dma_start3A_23 = tpu.memref_slice %arg4[%mul3A_21] : memref<20480xf32, #tpu.memory_space<hbm>> -> memref<640xf32, #tpu.memory_space<hbm>>
      tpu.enqueue_dma source(%arg8 : memref<640xf32, #tpu.memory_space<vmem>>) target(%dma_start3A_23 : memref<640xf32, #tpu.memory_space<hbm>>) target_semaphore(%run_scoped3A : memref<!tpu.dma_semaphore, #tpu.memory_space<semaphore_mem>>)
      %dma_wait3A_24 = tpu.memref_slice %arg4[%mul3A_21] : memref<20480xf32, #tpu.memory_space<hbm>> -> memref<640xf32, #tpu.memory_space<hbm>>
      %dma_wait3A_25 = tpu.memref_slice %arg4[%mul3A_21] : memref<20480xf32, #tpu.memory_space<hbm>> -> memref<640xf32, #tpu.memory_space<hbm>>
      tpu.wait_dma2 semaphore(%run_scoped3A : memref<!tpu.dma_semaphore, #tpu.memory_space<semaphore_mem>>) src(%arg8 : memref<640xf32, #tpu.memory_space<vmem>>) dst(%dma_wait3A_25 : memref<640xf32, #tpu.memory_space<hbm>>)
      tpu.yield
    }) : () -> ()
    return
  }
}

module attributes {stable_mosaic.version = 14 : i64} {
  func.func @_mm_body(%arg0: memref<1x19xf32, #tpu.memory_space<vmem>>, %arg1: memref<32x14336xf32, #tpu.memory_space<vmem>>, %arg2: memref<32x14336xf32, #tpu.memory_space<vmem>>, %arg3: memref<32x18x32xf32, #tpu.memory_space<vmem>>) attributes {dimension_semantics = [], scalar_prefetch = 0 : i64, scratch_operands = 0 : i64, tpu.core_type = #tpu.core_type<tc>} {
    %get3A = arith.constant 0 : index
    %get3A_0 = arith.constant 0 : index
    %get3A_1 = vector.load %arg2[%get3A, %get3A_0] : memref<32x14336xf32, #tpu.memory_space<vmem>>, vector<32x14336xf32>
    %get3A_2 = arith.constant 0 : index
    %get3A_3 = arith.constant 0 : index
    %get3A_4 = vector.load %arg0[%get3A_2, %get3A_3] : memref<1x19xf32, #tpu.memory_space<vmem>>, vector<1x19xf32>
    %slice3A = vector.extract_strided_slice %get3A_4 {offsets = [0, 0], sizes = [1, 18], strides = [1, 1]} : vector<1x19xf32> to vector<1x18xf32>
    %squeeze3A = vector.shape_cast %slice3A : vector<1x18xf32> to vector<18xf32>
    %reshape3A = vector.shape_cast %squeeze3A : vector<18xf32> to vector<18x1xf32>
    %slice3A_5 = vector.extract_strided_slice %get3A_4 {offsets = [0, 1], sizes = [1, 18], strides = [1, 1]} : vector<1x19xf32> to vector<1x18xf32>
    %squeeze3A_6 = vector.shape_cast %slice3A_5 : vector<1x18xf32> to vector<18xf32>
    %reshape3A_7 = vector.shape_cast %squeeze3A_6 : vector<18xf32> to vector<18x1xf32>
    %scan3A = arith.constant 0 : i32
    %scan3A_8 = arith.constant 32 : i32
    %scan3A_9 = arith.addi %scan3A, %scan3A_8 : i32
    %scan3A_10 = arith.constant 1 : i32
    scf.for %scan3A_12 = %scan3A to %scan3A_9 step %scan3A_10  : i32 {
      %get3A_13 = arith.index_cast %scan3A_12 : i32 to index
      %get3A_14 = arith.constant 0 : index
      %get3A_15 = vector.load %arg1[%get3A_13, %get3A_14] : memref<32x14336xf32, #tpu.memory_space<vmem>>, vector<1x14336xf32>
      %lt3A = vector.broadcast %reshape3A : vector<18x1xf32> to vector<18x14336xf32>
      %lt3A_16 = vector.broadcast %get3A_15 : vector<1x14336xf32> to vector<18x14336xf32>
      %lt3A_17 = arith.cmpf olt, %lt3A, %lt3A_16 : vector<18x14336xf32>
      %lt3A_18 = vector.broadcast %get3A_15 : vector<1x14336xf32> to vector<18x14336xf32>
      %lt3A_19 = vector.broadcast %reshape3A_7 : vector<18x1xf32> to vector<18x14336xf32>
      %lt3A_20 = arith.cmpf olt, %lt3A_18, %lt3A_19 : vector<18x14336xf32>
      %and3A = arith.andi %lt3A_17, %lt3A_20 : vector<18x14336xi1>
      %convert_element_type3A = arith.extui %and3A : vector<18x14336xi1> to vector<18x14336xi32>
      %convert_element_type3A_21 = arith.sitofp %convert_element_type3A : vector<18x14336xi32> to vector<18x14336xf32>
      %dot_general3A = arith.constant dense<0.000000e+00> : vector<18x32xf32>
      %dot_general3A_22 = tpu.matmul %convert_element_type3A_21, %get3A_1, %dot_general3A {dimension_numbers = #tpu.dot_dimension_numbers<[1], [1], [0], [0], [0, 0, 1, 0], [], []>, transpose_lhs_hint = false} : vector<18x14336xf32>, vector<32x14336xf32>, vector<18x32xf32> -> vector<18x32xf32>
      %reshape3A_23 = vector.shape_cast %dot_general3A_22 : vector<18x32xf32> to vector<1x18x32xf32>
      %swap3A = arith.index_cast %scan3A_12 : i32 to index
      %swap3A_24 = arith.constant 0 : index
      %swap3A_25 = arith.constant 0 : index
      %swap3A_26 = vector.load %arg3[%swap3A, %swap3A_24, %swap3A_25] : memref<32x18x32xf32, #tpu.memory_space<vmem>>, vector<1x18x32xf32>
      tpu.vector_store %arg3[%swap3A, %swap3A_24, %swap3A_25], %reshape3A_23 {strides = array<i32>} : memref<32x18x32xf32, #tpu.memory_space<vmem>>, vector<1x18x32xf32>,
    }
    %scan3A_11 = arith.constant 32 : i32
    return
  }
}

module attributes {stable_mosaic.version = 14 : i64} {
  func.func @_fin_body(%arg0: memref<32x20x32xf32, #tpu.memory_space<vmem>>, %arg1: memref<32x18x32xf32, #tpu.memory_space<vmem>>, %arg2: memref<32x32xf32, #tpu.memory_space<vmem>>) attributes {dimension_semantics = [], scalar_prefetch = 0 : i64, scratch_operands = 0 : i64, tpu.core_type = #tpu.core_type<tc>} {
    %get3A = arith.constant 0 : index
    %get3A_0 = arith.constant 0 : index
    %get3A_1 = arith.constant 0 : index
    %get3A_2 = vector.load %arg0[%get3A, %get3A_0, %get3A_1] : memref<32x20x32xf32, #tpu.memory_space<vmem>>, vector<32x20x32xf32>
    %slice3A = vector.extract_strided_slice %get3A_2 {offsets = [0, 0, 0], sizes = [32, 18, 32], strides = [1, 1, 1]} : vector<32x20x32xf32> to vector<32x18x32xf32>
    %get3A_3 = arith.constant 0 : index
    %get3A_4 = arith.constant 0 : index
    %get3A_5 = arith.constant 0 : index
    %get3A_6 = vector.load %arg1[%get3A_3, %get3A_4, %get3A_5] : memref<32x18x32xf32, #tpu.memory_space<vmem>>, vector<32x18x32xf32>
    %add3A = arith.addf %slice3A, %get3A_6 : vector<32x18x32xf32>
    %reduce_sum3A = arith.constant dense<0.000000e+00> : vector<32x32xf32>
    %reduce_sum3A_7 = vector.multi_reduction <add>, %add3A, %reduce_sum3A [1] : vector<32x18x32xf32> to vector<32x32xf32>
    %broadcast_in_dim3A = vector.shape_cast %reduce_sum3A_7 : vector<32x32xf32> to vector<32x1x32xf32>
    %div3A = vector.broadcast %broadcast_in_dim3A : vector<32x1x32xf32> to vector<32x18x32xf32>
    %div3A_8 = arith.divf %add3A, %div3A : vector<32x18x32xf32>
    %log3A = math.log %div3A_8 : vector<32x18x32xf32>
    %mul3A = arith.mulf %div3A_8, %log3A : vector<32x18x32xf32>
    %reduce_sum3A_9 = arith.constant dense<0.000000e+00> : vector<32x32xf32>
    %reduce_sum3A_10 = vector.multi_reduction <add>, %mul3A, %reduce_sum3A_9 [1] : vector<32x18x32xf32> to vector<32x32xf32>
    %mul3A_11 = arith.constant 0.345976263 : f32
    %mul3A_12 = vector.broadcast %mul3A_11 : f32 to vector<32x32xf32>
    %mul3A_13 = arith.mulf %mul3A_12, %reduce_sum3A_10 : vector<32x32xf32>
    %add3A_14 = arith.constant 1.000000e+00 : f32
    %add3A_15 = vector.broadcast %add3A_14 : f32 to vector<32x32xf32>
    %add3A_16 = arith.addf %add3A_15, %mul3A_13 : vector<32x32xf32>
    %swap3A = arith.constant 0 : index
    %swap3A_17 = arith.constant 0 : index
    %swap3A_18 = vector.load %arg2[%swap3A, %swap3A_17] : memref<32x32xf32, #tpu.memory_space<vmem>>, vector<32x32xf32>
    tpu.vector_store %arg2[%swap3A, %swap3A_17], %add3A_16 {strides = array<i32>} : memref<32x32xf32, #tpu.memory_space<vmem>>, vector<32x32xf32>,
    return
  }
}

</mosaic_0001>

<sc_bundles>
// kernel: kernel.5.cloned.1.call-start
scs
__scs_entry_jumppad:
0x0: {  	(pc) =	sbr.rel $0x88, $3  }
0x1: {  	(tag) =	ssettag $0x0;
	lr =	simm.s32 $0x1  }
0x2: {  	[smem:$0x3F9F] =	sst lr;
	_ =	strace $0xD0000000  }
0x3: {  	_ = 	snop  }
0x4: {  	_ = 	snop  }
0x5: {  	_ = 	snop  }
0x6: {  	_ = 	snop  }
0x7: {  	_ = 	snop  }
__scs_overlays_trampoline_lowered:
0x8: {  	[smem:$0x3FAE] =	sst s0  }
0x9: {  	[smem:$0x3FAF] =	sst s1  }
0xa: {  	[smem:$0x3FB0] =	sst s2  }
0xb: {  	[smem:$0x3FB1] =	sst s3  }
0xc: {  	[smem:$0x3FB2] =	sst s4  }
0xd: {  	[smem:$0x3FB3] =	sst s5  }
0xe: {  	[smem:$0x3FB4] =	sst s6  }
0xf: {  	[smem:$0x3FB5] =	sst s7  }
0x10: {  	[smem:$0x3FB6] =	sst s8  }
0x11: {  	[smem:$0x3FB7] =	sst s9;
	s0 =	simm.s32 @!p0 $0x0  }
0x12: {  	s1 =	sld [smem:$0x3F9D];
	s0 =	simm.s32 @p0 $0x1  }
0x13: {  	[smem:$0x3FB8] =	sst s0;
	s0 =	simm.s32 @!p1 $0x0  }
0x14: {  	s2 =	sld [smem:$0x3F9C];
	s0 =	simm.s32 @p1 $0x1  }
0x15: {  	[smem:$0x3FB9] =	sst s0;
	s0 =	simm.s32 @!p2 $0x0  }
0x16: {  	s3 =	sld [smem:$0x3FDB];
	s0 =	simm.s32 @p2 $0x1  }
0x17: {  	s4 =	simm.s32 $0x1BF5;
	[smem:$0x3FBB] =	sst s0  }
0x18: {  	s0 =	sld [smem:$0x3F9E];
	_ =	swait.ge [sflag:s4], $0x0  }
0x19: {  	s7 =	sld [smem:$0x3F9F]  }
0x1a: {  	s8 =	sadd.s32 $0xFFFFE003, lr  }
0x1b: {  	s9 =	sadd.s32 $0xFFFFFEF7, lr;
	s5 =	simm.s32 $0xFFFFFFFF;
	p2 =	slt.u32 s8, $0xFFFFF086  }
0x1c: {  	p1 =	slt.u32 s9, $0xF7A;
	s5 =	simm.s32 @!p2 $0x0  }
0x1d: {  	s5 =	simm.s32 @p1 $0x1;
	p0 =	seq.s32 s7, s2  }
0x1e: {  	s7 =	smul.u32 @!p0 $0xF7A, s2;
	p2 =	seq.s32 @!p0 s5, $0x0  }
0x1f: {  	s9 =	smul.u32 $0xF7A, s1;
	s8 =	simm.s32 @!p0 $0x1BF5;
	p2 =	por !p2, p0  }
0x20: {  	[sflag:s8] =	ssyncset.s32 @!p0 $0xFFFFF086;
	s6 =	sadd.s32 @!p0 s3, s7;
	s7 =	simm.s32 @!p0 $0x108  }
0x21: {  	s3 =	sadd.s32 s3, s9;
	s6 =	sadd.s32 @!p0 $0x88, s6;
	s7 =	simm.s32 @p2 $0x1082  }
0x22: {  	[simem:s7], [sflag:s8] =	dma.local @!p0 [hbm:s6], $0xF7A  }
0x23: {  	s9 =	sor.u32 $0xD0000000, s2;
	s6 =	simm.s32 $0x108;
	_ =	swait.ge @!p0 [sflag:s8], $0x0  }
0x24: {  	s3 =	sadd.s32 $0x88, s3;
	s6 =	simm.s32 @!p1 $0x1082;
	[sflag:s4] =	ssyncset.s32 $0xFFFFF086  }
0x25: {  	[simem:s6], [sflag:s4] =	dma.local [hbm:s3], $0xF7A  }
0x26: {  	[smem:$0x3F9F] =	sst s1;
	(tag) =	ssettag s2;
	_ =	strace s9  }
0x27: {  	s1 =	sld [smem:$0x3FAF]  }
0x28: {  	s2 =	sld [smem:$0x3FB0]  }
0x29: {  	s4 =	sld [smem:$0x3FB2]  }
0x2a: {  	p0 =	seq.s32 s5, $0x0;
	s5 =	sld [smem:$0x3FB3]  }
0x2b: {  	s6 =	sld [smem:$0x3FB4]  }
0x2c: {  	s7 =	sld [smem:$0x3FB5]  }
0x2d: {  	s3 =	simm.s32 $0x108;
	s8 =	sld [smem:$0x3FB6]  }
0x2e: {  	s3 =	simm.s32 @!p0 $0x1082;
	s9 =	sld [smem:$0x3FB7]  }
0x2f: {  	lr =	sadd.s32 s0, s3;
	s0 =	sld [smem:$0x3FAE]  }
0x30: {  	s3 =	sld [smem:$0x3FB1]  }
0x31: {  	[smem:$0x3FBA] =	sst s10  }
0x32: {  	s10 =	sld [smem:$0x3FB8];
	_ =	sdelay $0x3  }
0x33: {  	p0 =	seq.s32 s10, $0x1;
	s10 =	sld [smem:$0x3FBA];
	_ =	sdelay $0x3  }
0x34: {  	[smem:$0x3FBA] =	sst s10  }
0x35: {  	s10 =	sld [smem:$0x3FB9];
	_ =	sdelay $0x3  }
0x36: {  	p1 =	seq.s32 s10, $0x1;
	s10 =	sld [smem:$0x3FBA];
	_ =	sdelay $0x3  }
0x37: {  	[smem:$0x3FBA] =	sst s10  }
0x38: {  	s10 =	sld [smem:$0x3FBB]  }
0x39: {  	_ = 	snop;
	(pc) =	sbr.ind lr, $3  }
0x3a: {  	_ = 	snop  }
0x3b: {  	_ = 	snop  }
0x3c: {  	p2 =	seq.s32 s10, $0x1;
	s10 =	sld [smem:$0x3FBA]  }
0x3d: {  	_ =	shalt  }
0x3e: {  	_ =	shalt  }
0x3f: {  	_ =	shalt  }
0x40: {  	_ =	shalt  }
0x41: {  	_ =	shalt  }
0x42: {  	_ =	shalt  }
0x43: {  	_ =	shalt  }
0x44: {  	_ =	shalt  }
0x45: {  	_ =	shalt  }
0x46: {  	_ =	shalt  }
0x47: {  	_ =	shalt  }
0x48: {  	_ =	shalt  }
0x49: {  	_ =	shalt  }
0x4a: {  	_ =	shalt  }
0x4b: {  	_ =	shalt  }
0x4c: {  	_ =	shalt  }
0x4d: {  	_ =	shalt  }
0x4e: {  	_ =	shalt  }
0x4f: {  	_ =	shalt  }
0x50: {  	_ =	shalt  }
0x51: {  	_ =	shalt  }
0x52: {  	_ =	shalt  }
0x53: {  	_ =	shalt  }
0x54: {  	_ =	shalt  }
0x55: {  	_ =	shalt  }
0x56: {  	_ =	shalt  }
0x57: {  	_ =	shalt  }
0x58: {  	_ =	shalt  }
0x59: {  	_ =	shalt  }
0x5a: {  	_ =	shalt  }
0x5b: {  	_ =	shalt  }
0x5c: {  	_ =	shalt  }
0x5d: {  	_ =	shalt  }
0x5e: {  	_ =	shalt  }
0x5f: {  	_ =	shalt  }
0x60: {  	_ =	shalt  }
0x61: {  	_ =	shalt  }
0x62: {  	_ =	shalt  }
0x63: {  	_ =	shalt  }
0x64: {  	_ =	shalt  }
0x65: {  	_ =	shalt  }
0x66: {  	_ =	shalt  }
0x67: {  	_ =	shalt  }
0x68: {  	_ =	shalt  }
0x69: {  	_ =	shalt  }
0x6a: {  	_ =	shalt  }
0x6b: {  	_ =	shalt  }
0x6c: {  	_ =	shalt  }
0x6d: {  	_ =	shalt  }
0x6e: {  	_ =	shalt  }
0x6f: {  	_ =	shalt  }
0x70: {  	_ =	shalt  }
0x71: {  	_ =	shalt  }
0x72: {  	_ =	shalt  }
0x73: {  	_ =	shalt  }
0x74: {  	_ =	shalt  }
0x75: {  	_ =	shalt  }
0x76: {  	_ =	shalt  }
0x77: {  	_ =	shalt  }
0x78: {  	_ =	shalt  }
0x79: {  	_ =	shalt  }
0x7a: {  	_ =	shalt  }
0x7b: {  	_ =	shalt  }
0x7c: {  	_ =	shalt  }
0x7d: {  	_ =	shalt  }
0x7e: {  	_ =	shalt  }
0x7f: {  	_ =	shalt  }
0x80: {  	_ =	shalt  }
0x81: {  	_ =	shalt  }
0x82: {  	_ =	shalt  }
0x83: {  	_ =	shalt  }
0x84: {  	_ =	shalt  }
0x85: {  	_ =	shalt  }
0x86: {  	_ =	shalt  }
0x87: {  	_ =	shalt  }
.Lfunc_end0:
.L_simem_size_0:
called_computation_lowered:
.L_overlay_start_0:
0x88: {  	s2 =	sld [smem:$0x3FD9]  }
0x89: {  	s3 =	sld [smem:$0x3FFE];
	_ =	sdelay $0x1  }
0x8a: {  	s1 =	srdreg.scid  }
0x8b: {  	s0 =	sand.u32 $0x1, s1  }
0x8c: {  	s16 =	sshll.u32 s0, $0xA;
	s2 =	sadd.s32 s3, s2  }
0x8d: {  	s2 =	sadd.s32 s2, s16  }
0x8e: {  	[smem:$0x3FC6] =	sst s2  }
0x8f: {  	_ = 	snop  }
0x90: {  	(tm) =	ssettm $0x1  }
0x91: {  	s17 =	sld [smem:$0x3FFB];
	_ =	sdelay $0x3  }
0x92: {  	_ =	strace s17  }
0x93: {  	s2 =	sld [smem:$0x3FFC];
	_ =	sdelay $0x3  }
0x94: {  	_ =	strace s2  }
0x95: {  	s2 =	sld [smem:$0x3FFD];
	_ =	sdelay $0x3  }
0x96: {  	_ =	strace s2  }
0x97: {  	_ =	strace $0x8FFFFFFF  }
0x98: {  	s18 =	sld [smem:$0x3FDB];
	_ =	sdelay $0x1  }
0x99: {  	s19 =	simm.s32 $_scs_section_size  }
0x9a: {  	s4 =	simm.s32 $_size__tile_overlayer_lowered;
	s5 =	simm.s32 $_tile_overlayer_lowered  }
0x9b: {  	s22 =	simm.s32 $0x1BFF;
	s21 =	sshll.u32 s5, $0x1;
	s2 =	sadd.s32 s19, s18  }
0x9c: {  	s6 =	simm.s32 $0x0;
	s20 =	sshll.u32 s4, $0x1;
	s4 =	sadd.s32 s21, s2  }
0x9d: {  	[timem:s6], [sflag:s22] =	dma.local [hbm:s4], s20  }
0x9e: {  	_ =	swait.ge [sflag:s22], s20  }
0x9f: {  	s3 =	ssub.s32 $0x0, s20;
	[sflag:s22] =	ssyncset.done $0x0  }
0xa0: {  	[sflag:s22] =	ssyncadd.s32 s3;
	_ =	sdelay $0x1  }
0xa1: {  	s23 =	simm.s32 $0x1B8B  }
0xa2: {  	_ =	swait.ge [sflag:s23], $0x1  }
0xa3: {  	[sflag:s23] =	ssyncset.done $0x0  }
0xa4: {  	s25 =	simm.s32 $0x1B8E;
	s24 =	sld [smem:$0x3FFE];
	[sflag:s23] =	ssyncadd.s32 $0xFFFFFFFF  }
0xa5: {  	s26 =	simm.s32 $execute0_lowered;
	[smem:$0x3FD2] =	sst s25  }
0xa6: {  	s4 =	sshll.u32 s26, $0x1;
	_ =	strace $0x80000046;
	[dreg:$0x1] =	wrdreg $0xFFFFFFFF  }
0xa7: {  	s28 =	simm.s32 $_size_execute0_lowered;
	s2 =	sadd.s32 s2, s4;
	[dreg:$0x0] =	wrdreg $0x0  }
0xa8: {  	s4 =	sshll.u32 s28, $0x1;
	[dreg:$0x2] =	wrdreg s2  }
0xa9: {  	[dreg:$0x3] =	wrdreg s4  }
0xaa: {  	[dreg:$0x4] =	wrdreg $0xC0  }
0xab: {  	_ =	task [dreg:s6], $0x5FFFF  }
0xac: {  	[dreg:$0x1] =	wrdreg $0xFFFFFFFF  }
0xad: {  	[dreg:$0x0] =	wrdreg $0x60  }
0xae: {  	[dreg:$0x2] =	wrdreg s24  }
0xaf: {  	[dreg:$0x3] =	wrdreg $0x9  }
0xb0: {  	_ =	task.clear_ibuf [dreg:s6], $0x4FFFF;
	_ =	strace $0x90000046  }
0xb1: {  	s29 =	simm.s32 $0x9;
	_ =	strace $0x80000048  }
0xb2: {  	_ =	swait.ge [sflag:s29], $0x1  }
0xb3: {  	[sflag:s29] =	ssyncadd.s32 $0xFFFFFFFF  }
0xb4: {  	_ =	strace $0x90000048  }
0xb5: {  	_ =	sfence  }
0xb6: {  	s30 =	sld [smem:$0x0];
	_ =	sdelay $0x2  }
0xb7: {  	s31 =	sshll.u32 s1, $0xD;
	s1 =	sshrl.u32 s1, $0x2  }
0xb8: {  	s3 =	sand.u32 $0x4000, s31;
	s1 =	sadd.s32 s1, s30  }
0xb9: {  	s0 =	sor.u32 s3, s0;
	s1 =	sshll.u32 s1, $0x11  }
0xba: {  	s0 =	sor.u32 s1, s0  }
0xbb: {  	s0 =	sadd.s32 $0x8F2B, s0  }
0xbc: {  	[sflag:s0] =	ssyncadd.remote.s32 $0x1  }
0xbd: {  	_ =	sfence.sel $0xFFFF  }
0xbe: {  	[dreg:$0x0] =	wrdreg $0xFFFFFFFF;
	(pc) =	sbr.abs _section_cstart, $3  }
0xbf: {  	[dreg:$0x1] =	wrdreg $0xFFFFFFFF  }
0xc0: {  	_ =	task.clear_ibuf [dreg:s6], $0x2FFFF;
	_ =	strace $0x9FFFFFFF  }
0xc1: {  	(tm) =	ssettm $0x7FFFFFFF  }
tec
execute0_lowered:
.L_overlay_start_1:
0x0: {  	(tag) =	ssettag $0x1  }
0x1: {  	s1 =	srdreg.scid;
	s0 =	stileid.u32  }
0x2: {  	s4 =	rddreg [dreg:$0x0];
	s2 =	simm.s32 $0x0;
	s8 =	simm.s32 $0x2  }
0x3: {  	v51 =	vlaneseq.u32;
	s9 =	simm.s32 $0x1;
	s10 =	simm.s32 $0x11000;
	s11 =	simm.s32 $0x0  }
0x4: {  	v0 =	vimm.f32 $0.0e+00;
	v12 =	vimm.s32 $0x0;
	v13 =	vimm.s32 $0x1;
	s3 =	sand.u32 $0x1, s1;
	s5 =	sshll.u32 s0, $0x1;
	[smem:$0x7FF] =	sst s2  }
0x5: {  	v22 =	vimm.s32 $0x2;
	v38 =	vimm.s32 $0x3;
	v42 =	vimm.s32 $0x4;
	s1 =	rddreg [dreg:$0x1];
	s5 =	sor.u32 s3, s5;
	_ =	strace $0x80000047  }
0x6: {  	v44 =	vimm.s32 $0x5;
	v14 =	vimm.s32 $0x6;
	v15 =	vimm.s32 $0x7;
	s7 =	ssub.s32 $0x2, s3;
	s6 =	sshll.u32 s5, $0xB;
	s5 =	smul.u32 $0x50, s5  }
0x7: {  	v16 =	vimm.s32 $0x8;
	v17 =	vimm.s32 $0x9;
	v18 =	vimm.s32 $0xA;
	s3 =	sadd.s32 $0x800, s4;
	s31 =	sshrl.u32 s7, $0x1;
	s6 =	sadd.s32 s6, s4  }
0x8: {  	v21 =	vimm.s32 $0xB;
	v23 =	vimm.s32 $0xC;
	v24 =	vimm.s32 $0xD;
	s7 =	ssub.s32 s7, s31;
	s5 =	sadd.s32 s5, s4;
	s4 =	sadd.s32 $0x2800, s6  }
0x9: {  	v25 =	vimm.s32 $0xE;
	v26 =	vimm.s32 $0xF;
	v3 =	vor.u32 $0x10, v51;
	s6 =	smax.u32 s7, $0x1;
	s7 =	simm.s32 $0x1000;
	s5 =	sadd.s32 $0x12800, s5  }
.LBB2_1:
0xa: {  	[tilespmem:s7], [sflag:$0x1] =	stream.linear.gather [hbm4b:s3+s2], $0x10000, $0x38;
	[tilespmem:$0x11280] =	vst v63  }
0xb: {  	_ = 	snop  }
0xc: {  	[tilespmem:s2], [sflag:$0x2] =	stream.linear.gather [hbm4b:s4+s2], $0x800, $0x38;
	[tilespmem:$0x11280] =	vst v63  }
0xd: {  	_ =	swait.ge [sflag:s8], $0x800  }
0xe: {  	[sflag:s8] =	ssyncset.done $0x0  }
0xf: {  	s13 =	simm.s32 $0x11040;
	[sflag:s8] =	ssyncadd.s32 $0xFFFFF800  }
0x10: {  	[tilespmem:s13+$0xFFFFFFC0] =	vst v0  }
0x11: {  	[tilespmem:s13+$0x30] =	vst v0  }
0x12: {  	[tilespmem:s13+$0x20] =	vst v0  }
0x13: {  	[tilespmem:s13+$0x10] =	vst v0  }
0x14: {  	[tilespmem:s13+$0x0] =	vst v0  }
0x15: {  	[tilespmem:s13+$0xFFFFFFF0] =	vst v0  }
0x16: {  	s15 =	simm.s32 $0x0;
	s12 =	simm.s32 $0x820;
	s14 =	simm.s32 $0x20;
	[tilespmem:s13+$0xFFFFFFE0] =	vst v0  }
.LBB2_2:
0x17: {  	s15 =	sadd.s32 $0x8, s15;
	[tilespmem:s13+$0xFFFFFFD0] =	vst v0;
	s13 =	sadd.s32 $0x80, s13  }
0x18: {  	[tilespmem:s13+$0xFFFFFFC0] =	vst v0;
	p0 =	slt.u32 s15, $0x20  }
0x19: {  	[tilespmem:s13+$0x30] =	vst v0  }
.Ltmp0:
0x1a: {  	[tilespmem:s13+$0x20] =	vst v0;
	(pc) =	sbr.rel @p0 .LBB2_2-.Ltmp0, $4  }
0x1b: {  	[tilespmem:s13+$0x10] =	vst v0  }
0x1c: {  	[tilespmem:s13+$0x0] =	vst v0  }
0x1d: {  	[tilespmem:s13+$0xFFFFFFF0] =	vst v0  }
0x1e: {  	[tilespmem:s13+$0xFFFFFFE0] =	vst v0  }
0x1f: {  	[tilespmem:s13+$0xFFFFFFD0] =	vst v0  }
0x20: {  	v1 =	vld [tilespmem:s14+$0x10]  }
0x21: {  	v2 =	vld [tilespmem:s14+$0xFFFFFFF0]  }
0x22: {  	v4 =	vld [tilespmem:s14+$0x0]  }
0x23: {  	v5 =	vld [tilespmem:s14+$0xFFFFFFE0];
	_ =	sdelay $0x3  }
0x24: {  	v1 =	vadd.f32 $3.141592740e+00, v1;
	v2 =	vadd.f32 $3.141592740e+00, v2  }
0x25: {  	v4 =	vadd.f32 $3.141592740e+00, v4;
	v5 =	vadd.f32 $3.141592740e+00, v5  }
0x26: {  	v1 =	vmul.f32 $2.864789010e+00, v1;
	v2 =	vmul.f32 $2.864789010e+00, v2  }
0x27: {  	v4 =	vmul.f32 $2.864789010e+00, v4;
	v5 =	vmul.f32 $2.864789010e+00, v5  }
0x28: {  	v6 =	vtrunc.f32 v1;
	vm0 =	vlt.f32 v2, $0.0e+00;
	v2 =	vtrunc.f32 v2  }
0x29: {  	s31 =	simm.s32 $0x60;
	v7 =	vtrunc.f32 v4;
	v8 =	vtrunc.f32 v5  }
0x2a: {  	vm1 =	vlt.f32 v4, $0.0e+00;
	v4 =	vld [tilespmem:s31+$0x10];
	v6 =	vcvt.f32.s32 v6;
	v8 =	vcvt.f32.s32 v8  }
0x2b: {  	v10 =	vld [tilespmem:s31+$0x0];
	v2 =	vcvt.f32.s32 v2;
	v7 =	vcvt.f32.s32 v7  }
0x2c: {  	vm3 =	vlt.f32 v1, $0.0e+00;
	vm2 =	vlt.s32 v6, $0x12;
	vm4 =	vlt.s32 v8, $0x12  }
0x2d: {  	v9 =	vld [tilespmem:s31+$0xFFFFFFF0];
	vm5 =	vlt.s32 v7, $0x12;
	v6 =	vnsel vm2, $0x12, v6;
	vm2 =	vlt.s32 v2, $0x12  }
0x2e: {  	v8 =	vnsel vm4, $0x12, v8;
	v7 =	vnsel vm5, $0x12, v7;
	v1 =	vshll.u32 v6, $0x5;
	v6 =	vld [tilespmem:s31+$0xFFFFFFE0]  }
0x2f: {  	v2 =	vnsel vm2, $0x12, v2;
	v4 =	vadd.f32 $3.141592740e+00, v4;
	v8 =	vshll.u32 v8, $0x5  }
0x30: {  	vm2 =	vlt.f32 v5, $0.0e+00;
	v5 =	vshll.u32 v7, $0x5;
	v7 =	vadd.f32 $3.141592740e+00, v10  }
0x31: {  	v1 =	vsel vm3, $0x240, v1;
	v11 =	vshll.u32 v2, $0x5;
	v2 =	vmul.f32 $2.864789010e+00, v4  }
0x32: {  	v9 =	vadd.f32 $3.141592740e+00, v9;
	v4 =	vsel vm2, $0x240, v8;
	[tilespmem:s12+$0x10] =	vst v1;
	v7 =	vmul.f32 $2.864789010e+00, v7  }
0x33: {  	v5 =	vsel vm1, $0x240, v5;
	[tilespmem:s12+$0xFFFFFFE0] =	vst v4;
	v4 =	vtrunc.f32 v2;
	v1 =	vadd.f32 $3.141592740e+00, v6  }
0x34: {  	[tilespmem:s12+$0x0] =	vst v5;
	v5 =	vtrunc.f32 v7;
	v6 =	vmul.f32 $2.864789010e+00, v9  }
0x35: {  	v8 =	vsel vm0, $0x240, v11;
	v4 =	vcvt.f32.s32 v4;
	v1 =	vmul.f32 $2.864789010e+00, v1  }
0x36: {  	s13 =	simm.s32 $0x4;
	s14 =	simm.s32 $0xA0;
	[tilespmem:s12+$0xFFFFFFF0] =	vst v8;
	vm1 =	vlt.f32 v7, $0.0e+00;
	vm0 =	vlt.f32 v6, $0.0e+00;
	v6 =	vtrunc.f32 v6  }
.LBB2_4:
0x37: {  	v7 =	vld [tilespmem:s14+$0x10];
	s13 =	sadd.s32 $0x4, s13;
	v8 =	vtrunc.f32 v1;
	v6 =	vcvt.f32.s32 v6;
	vm2 =	vlt.s32 v4, $0x12  }
0x38: {  	v5 =	vcvt.f32.s32 v5;
	v9 =	vld [tilespmem:s14+$0xFFFFFFF0];
	p0 =	slt.u32 s13, $0x7C;
	v8 =	vcvt.f32.s32 v8;
	v4 =	vnsel vm2, $0x12, v4  }
0x39: {  	vm3 =	vlt.f32 v2, $0.0e+00;
	v10 =	vld [tilespmem:s14+$0x0];
	vm2 =	vlt.s32 v6, $0x12;
	v2 =	vshll.u32 v4, $0x5  }
0x3a: {  	s12 =	sadd.s32 $0x40, s12;
	vm5 =	vlt.s32 v5, $0x12;
	v4 =	vld [tilespmem:s14+$0xFFFFFFE0];
	vm4 =	vlt.s32 v8, $0x12;
	v2 =	vsel vm3, $0x240, v2  }
0x3b: {  	v6 =	vnsel vm2, $0x12, v6;
	v5 =	vnsel vm5, $0x12, v5;
	v8 =	vnsel vm4, $0x12, v8;
	[tilespmem:s12+$0x10] =	vst v2  }
0x3c: {  	v6 =	vshll.u32 v6, $0x5;
	v2 =	vadd.f32 $3.141592740e+00, v7;
	v7 =	vshll.u32 v8, $0x5  }
0x3d: {  	vm2 =	vlt.f32 v1, $0.0e+00;
	v1 =	vshll.u32 v5, $0x5;
	v8 =	vadd.f32 $3.141592740e+00, v9  }
.Ltmp1:
0x3e: {  	v7 =	vsel vm2, $0x240, v7;
	v5 =	vadd.f32 $3.141592740e+00, v10;
	v2 =	vmul.f32 $2.864789010e+00, v2;
	(pc) =	sbr.rel @p0 .LBB2_4-.Ltmp1, $4  }
0x3f: {  	v6 =	vsel vm0, $0x240, v6;
	v4 =	vadd.f32 $3.141592740e+00, v4;
	v8 =	vmul.f32 $2.864789010e+00, v8;
	[tilespmem:s12+$0xFFFFFFE0] =	vst v7  }
0x40: {  	v7 =	vmul.f32 $2.864789010e+00, v5;
	v5 =	vtrunc.f32 v2;
	[tilespmem:s12+$0xFFFFFFF0] =	vst v6;
	v6 =	vsel vm1, $0x240, v1  }
0x41: {  	v1 =	vmul.f32 $2.864789010e+00, v4;
	vm0 =	vlt.f32 v8, $0.0e+00;
	v4 =	vcvt.f32.s32 v5;
	[tilespmem:s12+$0x0] =	vst v6  }
0x42: {  	s14 =	sadd.s32 $0x40, s14;
	v6 =	vtrunc.f32 v8;
	v5 =	vtrunc.f32 v7;
	vm1 =	vlt.f32 v7, $0.0e+00  }
0x43: {  	v7 =	vtrunc.f32 v1  }
0x44: {  	v6 =	vcvt.f32.s32 v6;
	vm2 =	vlt.s32 v4, $0x12;
	v5 =	vcvt.f32.s32 v5  }
0x45: {  	vm3 =	vlt.f32 v2, $0.0e+00;
	vm15 =	vlt.f32 v1, $0.0e+00;
	v4 =	vnsel vm2, $0x12, v4  }
0x46: {  	v7 =	vcvt.f32.s32 v7;
	vm14 =	vlt.s32 v6, $0x12;
	v2 =	vshll.u32 v4, $0x5  }
0x47: {  	s12 =	sadd.s32 $0x40, s12;
	vm5 =	vlt.s32 v5, $0x12;
	v2 =	vsel vm3, $0x240, v2;
	v6 =	vnsel vm14, $0x12, v6  }
0x48: {  	vm4 =	vlt.s32 v7, $0x12;
	v1 =	vnsel vm5, $0x12, v5;
	[tilespmem:s12+$0x10] =	vst v2;
	v2 =	vshll.u32 v6, $0x5  }
0x49: {  	v4 =	vnsel vm4, $0x12, v7;
	v1 =	vshll.u32 v1, $0x5;
	v2 =	vsel vm0, $0x240, v2  }
0x4a: {  	v4 =	vshll.u32 v4, $0x5;
	v1 =	vsel vm1, $0x240, v1;
	[tilespmem:s12+$0xFFFFFFF0] =	vst v2  }
0x4b: {  	v4 =	vsel vm15, $0x240, v4;
	[tilespmem:s12+$0x0] =	vst v1  }
0x4c: {  	[tilespmem:s12+$0xFFFFFFE0] =	vst v4  }
0x4d: {  	_ =	swait.ge [sflag:s9], $0x10000  }
0x4e: {  	[sflag:s9] =	ssyncset.done $0x0  }
0x4f: {  	s13 =	simm.s32 $0x820;
	[sflag:s9] =	ssyncadd.s32 $0xFFFF0000  }
0x50: {  	v1 =	vld [tilespmem:s13+$0x10];
	_ =	sdelay $0x4  }
0x51: {  	v2 =	vperm.xlane v1, v12  }
0x52: {  	s12 =	simm.s32 $0x1400  }
0x53: {  	v4 =	vld [tilespmem:s12+$0x200];
	v5 =	vadd.s32 v51, v2  }
0x54: {  	v6 =	vld [tilespmem:s12+$0x210];
	v2 =	vadd.s32 v3, v2  }
0x55: {  	v19 =	vld [tilespmem:s13+$0xFFFFFFF0]  }
0x56: {  	v0 =	vld [tilespmem:s13+$0xFFFFFFE0]  }
0x57: {  	v20 =	vld [tilespmem:s13+$0x0]  }
0x58: {  	[tilespmem:v5+s10+$0x0] =	vst.idx.add.f32.msk $0xffff, v4;
	v4 =	vperm.xlane v1, v13  }
0x59: {  	[tilespmem:v2+s10+$0x0] =	vst.idx.add.f32.msk $0xffff, v6  }
0x5a: {  	v2 =	vld [tilespmem:s12+$0x220];
	v5 =	vadd.s32 v51, v4  }
0x5b: {  	v6 =	vld [tilespmem:s12+$0x230];
	v4 =	vadd.s32 v3, v4  }
0x5c: {  	v8 =	vld [tilespmem:s12+$0xFFFFFC00]  }
0x5d: {  	v9 =	vld [tilespmem:s12+$0xFFFFFC10];
	v7 =	vperm.xlane v0, v12  }
0x5e: {  	v45 =	vld [tilespmem:s12+$0xFFFFFE00]  }
0x5f: {  	v10 =	vadd.s32 v51, v7;
	[tilespmem:v5+s10+$0x0] =	vst.idx.add.f32.msk $0xffff, v2;
	v2 =	vperm.xlane v1, v22  }
0x60: {  	v5 =	vadd.s32 v3, v7;
	[tilespmem:v4+s10+$0x0] =	vst.idx.add.f32.msk $0xffff, v6  }
0x61: {  	v4 =	vld [tilespmem:s12+$0x240];
	v6 =	vadd.s32 v51, v2  }
0x62: {  	v7 =	vld [tilespmem:s12+$0x250];
	v2 =	vadd.s32 v3, v2  }
0x63: {  	v46 =	vld [tilespmem:s12+$0xFFFFFE10]  }
0x64: {  	[tilespmem:v10+s10+$0x0] =	vst.idx.add.f32.msk $0xffff, v8  }
0x65: {  	v8 =	vperm.xlane v19, v12;
	[tilespmem:v5+s10+$0x0] =	vst.idx.add.f32.msk $0xffff, v9  }
0x66: {  	[tilespmem:v6+s10+$0x0] =	vst.idx.add.f32.msk $0xffff, v4;
	v4 =	vperm.xlane v1, v38  }
0x67: {  	v5 =	vadd.s32 v51, v8;
	[tilespmem:v2+s10+$0x0] =	vst.idx.add.f32.msk $0xffff, v7  }
0x68: {  	v2 =	vld [tilespmem:s12+$0x260];
	v6 =	vadd.s32 v51, v4  }
0x69: {  	v7 =	vld [tilespmem:s12+$0x270];
	v4 =	vadd.s32 v3, v4  }
0x6a: {  	v47 =	vld [tilespmem:s12+$0x0]  }
0x6b: {  	v49 =	vld [tilespmem:s12+$0xFFFFFC30]  }
0x6c: {  	v8 =	vadd.s32 v3, v8;
	[tilespmem:v5+s10+$0x0] =	vst.idx.add.f32.msk $0xffff, v45;
	v5 =	vperm.xlane v20, v12  }
0x6d: {  	[tilespmem:v6+s10+$0x0] =	vst.idx.add.f32.msk $0xffff, v2;
	v2 =	vperm.xlane v1, v42  }
0x6e: {  	v6 =	vadd.s32 v51, v5;
	[tilespmem:v4+s10+$0x0] =	vst.idx.add.f32.msk $0xffff, v7  }
0x6f: {  	v4 =	vld [tilespmem:s12+$0x280];
	v7 =	vadd.s32 v51, v2  }
0x70: {  	v11 =	vld [tilespmem:s12+$0x290];
	v2 =	vadd.s32 v3, v2  }
0x71: {  	[tilespmem:v8+s10+$0x0] =	vst.idx.add.f32.msk $0xffff, v46  }
0x72: {  	v8 =	vld [tilespmem:s12+$0x10]  }
0x73: {  	[tilespmem:v6+s10+$0x0] =	vst.idx.add.f32.msk $0xffff, v47  }
0x74: {  	v5 =	vadd.s32 v3, v5;
	[tilespmem:v7+s10+$0x0] =	vst.idx.add.f32.msk $0xffff, v4;
	v4 =	vperm.xlane v1, v44  }
0x75: {  	[tilespmem:v2+s10+$0x0] =	vst.idx.add.f32.msk $0xffff, v11  }
0x76: {  	v2 =	vld [tilespmem:s12+$0x2A0];
	v6 =	vadd.s32 v51, v4  }
0x77: {  	v7 =	vld [tilespmem:s12+$0x2B0];
	v4 =	vadd.s32 v3, v4  }
0x78: {  	v48 =	vperm.xlane v0, v13;
	v52 =	vld [tilespmem:s12+$0xFFFFFE30]  }
0x79: {  	[tilespmem:v5+s10+$0x0] =	vst.idx.add.f32.msk $0xffff, v8  }
0x7a: {  	v5 =	vld [tilespmem:s12+$0xFFFFFC20];
	v8 =	vadd.s32 v51, v48  }
0x7b: {  	[tilespmem:v6+s10+$0x0] =	vst.idx.add.f32.msk $0xffff, v2;
	v2 =	vperm.xlane v1, v14  }
0x7c: {  	v6 =	vadd.s32 v3, v48;
	[tilespmem:v4+s10+$0x0] =	vst.idx.add.f32.msk $0xffff, v7  }
0x7d: {  	v4 =	vld [tilespmem:s12+$0x2C0];
	v7 =	vadd.s32 v51, v2  }
0x7e: {  	v50 =	vld [tilespmem:s12+$0x2D0];
	v2 =	vadd.s32 v3, v2  }
0x7f: {  	[tilespmem:v8+s10+$0x0] =	vst.idx.add.f32.msk $0xffff, v5  }
0x80: {  	v5 =	vperm.xlane v19, v13;
	v8 =	vld [tilespmem:s12+$0xFFFFFE20]  }
0x81: {  	[tilespmem:v6+s10+$0x0] =	vst.idx.add.f32.msk $0xffff, v49  }
0x82: {  	v6 =	vadd.s32 v51, v5;
	[tilespmem:v7+s10+$0x0] =	vst.idx.add.f32.msk $0xffff, v4;
	v4 =	vperm.xlane v1, v15  }
0x83: {  	[tilespmem:v2+s10+$0x0] =	vst.idx.add.f32.msk $0xffff, v50  }
0x84: {  	v2 =	vld [tilespmem:s12+$0x2E0];
	v7 =	vadd.s32 v51, v4  }
0x85: {  	v9 =	vld [tilespmem:s12+$0x2F0];
	v4 =	vadd.s32 v3, v4  }
0x86: {  	v55 =	vld [tilespmem:s12+$0xFFFFFC50]  }
0x87: {  	[tilespmem:v6+s10+$0x0] =	vst.idx.add.f32.msk $0xffff, v8  }
0x88: {  	v5 =	vadd.s32 v3, v5;
	v6 =	vperm.xlane v20, v13;
	v8 =	vld [tilespmem:s12+$0x20]  }
0x89: {  	[tilespmem:v7+s10+$0x0] =	vst.idx.add.f32.msk $0xffff, v2;
	v2 =	vperm.xlane v1, v16  }
0x8a: {  	v7 =	vadd.s32 v51, v6;
	[tilespmem:v4+s10+$0x0] =	vst.idx.add.f32.msk $0xffff, v9  }
0x8b: {  	v4 =	vld [tilespmem:s12+$0x300];
	v53 =	vadd.s32 v51, v2  }
0x8c: {  	v11 =	vld [tilespmem:s12+$0x310];
	v2 =	vadd.s32 v3, v2  }
0x8d: {  	[tilespmem:v5+s10+$0x0] =	vst.idx.add.f32.msk $0xffff, v52  }
0x8e: {  	v5 =	vld [tilespmem:s12+$0x30]  }
0x8f: {  	[tilespmem:v7+s10+$0x0] =	vst.idx.add.f32.msk $0xffff, v8  }
0x90: {  	v6 =	vadd.s32 v3, v6;
	[tilespmem:v53+s10+$0x0] =	vst.idx.add.f32.msk $0xffff, v4;
	v4 =	vperm.xlane v1, v17  }
0x91: {  	[tilespmem:v2+s10+$0x0] =	vst.idx.add.f32.msk $0xffff, v11  }
0x92: {  	v2 =	vld [tilespmem:s12+$0x320];
	v7 =	vadd.s32 v51, v4  }
0x93: {  	v8 =	vld [tilespmem:s12+$0x330];
	v4 =	vadd.s32 v3, v4  }
0x94: {  	v54 =	vperm.xlane v0, v22;
	v57 =	vld [tilespmem:s12+$0xFFFFFE50]  }
0x95: {  	[tilespmem:v6+s10+$0x0] =	vst.idx.add.f32.msk $0xffff, v5  }
0x96: {  	v5 =	vld [tilespmem:s12+$0xFFFFFC40];
	v6 =	vadd.s32 v51, v54  }
0x97: {  	[tilespmem:v7+s10+$0x0] =	vst.idx.add.f32.msk $0xffff, v2;
	v2 =	vperm.xlane v1, v18  }
0x98: {  	v7 =	vadd.s32 v3, v54;
	[tilespmem:v4+s10+$0x0] =	vst.idx.add.f32.msk $0xffff, v8  }
0x99: {  	v4 =	vld [tilespmem:s12+$0x340];
	v8 =	vadd.s32 v51, v2  }
0x9a: {  	v56 =	vld [tilespmem:s12+$0x350];
	v2 =	vadd.s32 v3, v2  }
0x9b: {  	[tilespmem:v6+s10+$0x0] =	vst.idx.add.f32.msk $0xffff, v5;
	v5 =	vperm.xlane v19, v22  }
0x9c: {  	v6 =	vld [tilespmem:s12+$0xFFFFFE40]  }
0x9d: {  	[tilespmem:v7+s10+$0x0] =	vst.idx.add.f32.msk $0xffff, v55;
	v7 =	vadd.s32 v51, v5  }
0x9e: {  	[tilespmem:v8+s10+$0x0] =	vst.idx.add.f32.msk $0xffff, v4;
	v4 =	vperm.xlane v1, v21  }
0x9f: {  	v5 =	vadd.s32 v3, v5;
	[tilespmem:v2+s10+$0x0] =	vst.idx.add.f32.msk $0xffff, v56  }
0xa0: {  	v2 =	vld [tilespmem:s12+$0x360];
	v8 =	vadd.s32 v51, v4  }
0xa1: {  	v9 =	vld [tilespmem:s12+$0x370]  }
0xa2: {  	v4 =	vadd.s32 v3, v4;
	[tilespmem:v7+s10+$0x0] =	vst.idx.add.f32.msk $0xffff, v6  }
0xa3: {  	v7 =	vld [tilespmem:s12+$0x40]  }
0xa4: {  	v6 =	vperm.xlane v20, v22;
	[tilespmem:v5+s10+$0x0] =	vst.idx.add.f32.msk $0xffff, v57  }
0xa5: {  	[tilespmem:v8+s10+$0x0] =	vst.idx.add.f32.msk $0xffff, v2  }
0xa6: {  	v5 =	vadd.s32 v3, v6;
	v2 =	vperm.xlane v1, v23;
	v8 =	vadd.s32 v51, v6;
	v6 =	vld [tilespmem:s12+$0x50]  }
0xa7: {  	[tilespmem:v4+s10+$0x0] =	vst.idx.add.f32.msk $0xffff, v9  }
0xa8: {  	v4 =	vld [tilespmem:s12+$0x380];
	v58 =	vadd.s32 v51, v2  }
0xa9: {  	v11 =	vld [tilespmem:s12+$0x390];
	v2 =	vadd.s32 v3, v2  }
0xaa: {  	v59 =	vld [tilespmem:s12+$0xFFFFFC60]  }
0xab: {  	[tilespmem:v8+s10+$0x0] =	vst.idx.add.f32.msk $0xffff, v7  }
0xac: {  	v8 =	vperm.xlane v0, v38;
	[tilespmem:v5+s10+$0x0] =	vst.idx.add.f32.msk $0xffff, v6  }
0xad: {  	[tilespmem:v58+s10+$0x0] =	vst.idx.add.f32.msk $0xffff, v4;
	v4 =	vperm.xlane v1, v24  }
0xae: {  	v6 =	vadd.s32 v51, v8;
	[tilespmem:v2+s10+$0x0] =	vst.idx.add.f32.msk $0xffff, v11  }
0xaf: {  	v2 =	vld [tilespmem:s12+$0x3A0];
	v7 =	vadd.s32 v51, v4;
	_ =	sdelay $0x1  }
0xb0: {  	v5 =	vld [tilespmem:s12+$0x3B0];
	v4 =	vadd.s32 v3, v4  }
0xb1: {  	v60 =	vld [tilespmem:s12+$0xFFFFFC70];
	v8 =	vadd.s32 v3, v8  }
0xb2: {  	[tilespmem:v6+s10+$0x0] =	vst.idx.add.f32.msk $0xffff, v59  }
0xb3: {  	[tilespmem:v7+s10+$0x0] =	vst.idx.add.f32.msk $0xffff, v2;
	v2 =	vperm.xlane v19, v38  }
0xb4: {  	v7 =	vld [tilespmem:s12+$0xFFFFFE60]  }
0xb5: {  	[tilespmem:v4+s10+$0x0] =	vst.idx.add.f32.msk $0xffff, v5;
	v4 =	vperm.xlane v1, v25;
	v5 =	vadd.s32 v51, v2  }
0xb6: {  	[tilespmem:v8+s10+$0x0] =	vst.idx.add.f32.msk $0xffff, v60  }
0xb7: {  	v6 =	vld [tilespmem:s12+$0x3C0];
	v61 =	vadd.s32 v51, v4  }
0xb8: {  	v8 =	vld [tilespmem:s12+$0x3D0];
	v4 =	vadd.s32 v3, v4  }
0xb9: {  	v62 =	vld [tilespmem:s12+$0xFFFFFE70]  }
0xba: {  	v2 =	vadd.s32 v3, v2;
	[tilespmem:v5+s10+$0x0] =	vst.idx.add.f32.msk $0xffff, v7;
	v5 =	vperm.xlane v20, v38  }
0xbb: {  	v7 =	vld [tilespmem:s12+$0x60]  }
0xbc: {  	[tilespmem:v61+s10+$0x0] =	vst.idx.add.f32.msk $0xffff, v6;
	v6 =	vadd.s32 v51, v5  }
0xbd: {  	[tilespmem:v4+s10+$0x0] =	vst.idx.add.f32.msk $0xffff, v8  }
0xbe: {  	v1 =	vperm.xlane v1, v26;
	v4 =	vadd.s32 v3, v5;
	v5 =	vld [tilespmem:s12+$0x70]  }
0xbf: {  	[tilespmem:v2+s10+$0x0] =	vst.idx.add.f32.msk $0xffff, v62  }
0xc0: {  	v8 =	vadd.s32 v51, v1;
	v2 =	vld [tilespmem:s12+$0x3E0]  }
0xc1: {  	[tilespmem:v6+s10+$0x0] =	vst.idx.add.f32.msk $0xffff, v7  }
0xc2: {  	v1 =	vadd.s32 v3, v1;
	v6 =	vperm.xlane v0, v42;
	v7 =	vld [tilespmem:s12+$0x3F0]  }
0xc3: {  	[tilespmem:v4+s10+$0x0] =	vst.idx.add.f32.msk $0xffff, v5  }
0xc4: {  	v5 =	vld [tilespmem:s12+$0xFFFFFC80];
	v4 =	vadd.s32 v51, v6  }
0xc5: {  	[tilespmem:v8+s10+$0x0] =	vst.idx.add.f32.msk $0xffff, v2  }
0xc6: {  	v2 =	vperm.xlane v19, v42;
	v8 =	vld [tilespmem:s12+$0xFFFFFC90];
	v6 =	vadd.s32 v3, v6  }
0xc7: {  	[tilespmem:v1+s10+$0x0] =	vst.idx.add.f32.msk $0xffff, v7  }
0xc8: {  	v1 =	vadd.s32 v51, v2;
	v7 =	vld [tilespmem:s12+$0xFFFFFE80]  }
0xc9: {  	[tilespmem:v4+s10+$0x0] =	vst.idx.add.f32.msk $0xffff, v5  }
0xca: {  	v2 =	vadd.s32 v3, v2;
	v4 =	vperm.xlane v20, v42;
	v5 =	vld [tilespmem:s12+$0xFFFFFE90]  }
0xcb: {  	[tilespmem:v6+s10+$0x0] =	vst.idx.add.f32.msk $0xffff, v8  }
0xcc: {  	v8 =	vld [tilespmem:s12+$0x80];
	v6 =	vadd.s32 v51, v4  }
0xcd: {  	[tilespmem:v1+s10+$0x0] =	vst.idx.add.f32.msk $0xffff, v7  }
0xce: {  	v4 =	vadd.s32 v3, v4;
	v1 =	vperm.xlane v0, v44;
	v7 =	vld [tilespmem:s12+$0x90]  }
0xcf: {  	[tilespmem:v2+s10+$0x0] =	vst.idx.add.f32.msk $0xffff, v5  }
0xd0: {  	v2 =	vadd.s32 v51, v1;
	v5 =	vld [tilespmem:s12+$0xFFFFFCA0]  }
0xd1: {  	[tilespmem:v6+s10+$0x0] =	vst.idx.add.f32.msk $0xffff, v8  }
0xd2: {  	v1 =	vadd.s32 v3, v1;
	v6 =	vperm.xlane v19, v44;
	v8 =	vld [tilespmem:s12+$0xFFFFFCB0]  }
0xd3: {  	[tilespmem:v4+s10+$0x0] =	vst.idx.add.f32.msk $0xffff, v7  }
0xd4: {  	v7 =	vld [tilespmem:s12+$0xFFFFFEA0];
	v4 =	vadd.s32 v51, v6  }
0xd5: {  	[tilespmem:v2+s10+$0x0] =	vst.idx.add.f32.msk $0xffff, v5  }
0xd6: {  	v2 =	vperm.xlane v20, v44;
	v5 =	vadd.s32 v3, v6;
	v6 =	vld [tilespmem:s12+$0xFFFFFEB0]  }
0xd7: {  	[tilespmem:v1+s10+$0x0] =	vst.idx.add.f32.msk $0xffff, v8  }
0xd8: {  	v1 =	vadd.s32 v51, v2;
	v8 =	vld [tilespmem:s12+$0xA0]  }
0xd9: {  	[tilespmem:v4+s10+$0x0] =	vst.idx.add.f32.msk $0xffff, v7  }
0xda: {  	v2 =	vadd.s32 v3, v2;
	v4 =	vperm.xlane v0, v14;
	v7 =	vld [tilespmem:s12+$0xB0]  }
0xdb: {  	[tilespmem:v5+s10+$0x0] =	vst.idx.add.f32.msk $0xffff, v6  }
0xdc: {  	v6 =	vld [tilespmem:s12+$0xFFFFFCC0];
	v5 =	vadd.s32 v51, v4  }
0xdd: {  	[tilespmem:v1+s10+$0x0] =	vst.idx.add.f32.msk $0xffff, v8  }
0xde: {  	v4 =	vadd.s32 v3, v4;
	v1 =	vperm.xlane v19, v14;
	v8 =	vld [tilespmem:s12+$0xFFFFFCD0]  }
0xdf: {  	[tilespmem:v2+s10+$0x0] =	vst.idx.add.f32.msk $0xffff, v7  }
0xe0: {  	v2 =	vadd.s32 v51, v1;
	v7 =	vld [tilespmem:s12+$0xFFFFFEC0]  }
0xe1: {  	[tilespmem:v5+s10+$0x0] =	vst.idx.add.f32.msk $0xffff, v6  }
0xe2: {  	v1 =	vadd.s32 v3, v1;
	v5 =	vperm.xlane v20, v14;
	v6 =	vld [tilespmem:s12+$0xFFFFFED0]  }
0xe3: {  	[tilespmem:v4+s10+$0x0] =	vst.idx.add.f32.msk $0xffff, v8  }
0xe4: {  	v8 =	vld [tilespmem:s12+$0xC0];
	v4 =	vadd.s32 v51, v5  }
0xe5: {  	[tilespmem:v2+s10+$0x0] =	vst.idx.add.f32.msk $0xffff, v7  }
0xe6: {  	v5 =	vadd.s32 v3, v5;
	v2 =	vperm.xlane v0, v15;
	v7 =	vld [tilespmem:s12+$0xD0]  }
0xe7: {  	[tilespmem:v1+s10+$0x0] =	vst.idx.add.f32.msk $0xffff, v6  }
0xe8: {  	v1 =	vadd.s32 v51, v2;
	v6 =	vld [tilespmem:s12+$0xFFFFFCE0]  }
0xe9: {  	[tilespmem:v4+s10+$0x0] =	vst.idx.add.f32.msk $0xffff, v8  }
0xea: {  	v2 =	vadd.s32 v3, v2;
	v4 =	vperm.xlane v19, v15;
	v8 =	vld [tilespmem:s12+$0xFFFFFCF0]  }
0xeb: {  	[tilespmem:v5+s10+$0x0] =	vst.idx.add.f32.msk $0xffff, v7  }
0xec: {  	v7 =	vld [tilespmem:s12+$0xFFFFFEE0];
	v5 =	vadd.s32 v51, v4  }
0xed: {  	[tilespmem:v1+s10+$0x0] =	vst.idx.add.f32.msk $0xffff, v6  }
0xee: {  	v4 =	vadd.s32 v3, v4;
	v1 =	vperm.xlane v20, v15;
	v6 =	vld [tilespmem:s12+$0xFFFFFEF0]  }
0xef: {  	[tilespmem:v2+s10+$0x0] =	vst.idx.add.f32.msk $0xffff, v8  }
0xf0: {  	v2 =	vadd.s32 v51, v1;
	v8 =	vld [tilespmem:s12+$0xE0]  }
0xf1: {  	[tilespmem:v5+s10+$0x0] =	vst.idx.add.f32.msk $0xffff, v7  }
0xf2: {  	v1 =	vadd.s32 v3, v1;
	v5 =	vperm.xlane v0, v16;
	v7 =	vld [tilespmem:s12+$0xF0]  }
0xf3: {  	[tilespmem:v4+s10+$0x0] =	vst.idx.add.f32.msk $0xffff, v6  }
0xf4: {  	v6 =	vld [tilespmem:s12+$0xFFFFFD00];
	v4 =	vadd.s32 v51, v5  }
0xf5: {  	[tilespmem:v2+s10+$0x0] =	vst.idx.add.f32.msk $0xffff, v8  }
0xf6: {  	v5 =	vadd.s32 v3, v5;
	v2 =	vperm.xlane v19, v16;
	v8 =	vld [tilespmem:s12+$0xFFFFFD10]  }
0xf7: {  	[tilespmem:v1+s10+$0x0] =	vst.idx.add.f32.msk $0xffff, v7  }
0xf8: {  	v1 =	vadd.s32 v51, v2;
	v7 =	vld [tilespmem:s12+$0xFFFFFF00]  }
0xf9: {  	[tilespmem:v4+s10+$0x0] =	vst.idx.add.f32.msk $0xffff, v6  }
0xfa: {  	v2 =	vadd.s32 v3, v2;
	v4 =	vperm.xlane v20, v16;
	v6 =	vld [tilespmem:s12+$0xFFFFFF10]  }
0xfb: {  	[tilespmem:v5+s10+$0x0] =	vst.idx.add.f32.msk $0xffff, v8  }
0xfc: {  	v8 =	vld [tilespmem:s12+$0x100];
	v5 =	vadd.s32 v51, v4  }
0xfd: {  	[tilespmem:v1+s10+$0x0] =	vst.idx.add.f32.msk $0xffff, v7  }
0xfe: {  	v4 =	vadd.s32 v3, v4;
	v1 =	vperm.xlane v0, v17;
	v7 =	vld [tilespmem:s12+$0x110]  }
0xff: {  	[tilespmem:v2+s10+$0x0] =	vst.idx.add.f32.msk $0xffff, v6  }
0x100: {  	v2 =	vadd.s32 v51, v1;
	v6 =	vld [tilespmem:s12+$0xFFFFFD20]  }
0x101: {  	[tilespmem:v5+s10+$0x0] =	vst.idx.add.f32.msk $0xffff, v8  }
0x102: {  	v1 =	vadd.s32 v3, v1;
	v5 =	vperm.xlane v19, v17;
	v8 =	vld [tilespmem:s12+$0xFFFFFD30]  }
0x103: {  	[tilespmem:v4+s10+$0x0] =	vst.idx.add.f32.msk $0xffff, v7  }
0x104: {  	v7 =	vld [tilespmem:s12+$0xFFFFFF20];
	v4 =	vadd.s32 v51, v5  }
0x105: {  	[tilespmem:v2+s10+$0x0] =	vst.idx.add.f32.msk $0xffff, v6  }
0x106: {  	v5 =	vadd.s32 v3, v5;
	v2 =	vperm.xlane v20, v17;
	v6 =	vld [tilespmem:s12+$0xFFFFFF30]  }
0x107: {  	[tilespmem:v1+s10+$0x0] =	vst.idx.add.f32.msk $0xffff, v8  }
0x108: {  	v1 =	vadd.s32 v51, v2;
	v8 =	vld [tilespmem:s12+$0x120]  }
0x109: {  	[tilespmem:v4+s10+$0x0] =	vst.idx.add.f32.msk $0xffff, v7  }
0x10a: {  	v2 =	vadd.s32 v3, v2;
	v4 =	vperm.xlane v0, v18;
	v7 =	vld [tilespmem:s12+$0x130]  }
0x10b: {  	[tilespmem:v5+s10+$0x0] =	vst.idx.add.f32.msk $0xffff, v6  }
0x10c: {  	v6 =	vld [tilespmem:s12+$0xFFFFFD40];
	v5 =	vadd.s32 v51, v4  }
0x10d: {  	[tilespmem:v1+s10+$0x0] =	vst.idx.add.f32.msk $0xffff, v8  }
0x10e: {  	v4 =	vadd.s32 v3, v4;
	v1 =	vperm.xlane v19, v18;
	v8 =	vld [tilespmem:s12+$0xFFFFFD50]  }
0x10f: {  	[tilespmem:v2+s10+$0x0] =	vst.idx.add.f32.msk $0xffff, v7  }
0x110: {  	v2 =	vadd.s32 v51, v1;
	v7 =	vld [tilespmem:s12+$0xFFFFFF40]  }
0x111: {  	[tilespmem:v5+s10+$0x0] =	vst.idx.add.f32.msk $0xffff, v6  }
0x112: {  	v1 =	vadd.s32 v3, v1;
	v5 =	vperm.xlane v20, v18;
	v6 =	vld [tilespmem:s12+$0xFFFFFF50]  }
0x113: {  	[tilespmem:v4+s10+$0x0] =	vst.idx.add.f32.msk $0xffff, v8  }
0x114: {  	v8 =	vld [tilespmem:s12+$0x140];
	v4 =	vadd.s32 v51, v5  }
0x115: {  	[tilespmem:v2+s10+$0x0] =	vst.idx.add.f32.msk $0xffff, v7  }
0x116: {  	v5 =	vadd.s32 v3, v5;
	v2 =	vperm.xlane v0, v21;
	v7 =	vld [tilespmem:s12+$0x150]  }
0x117: {  	[tilespmem:v1+s10+$0x0] =	vst.idx.add.f32.msk $0xffff, v6  }
0x118: {  	v1 =	vadd.s32 v51, v2;
	v6 =	vld [tilespmem:s12+$0xFFFFFD60]  }
0x119: {  	[tilespmem:v4+s10+$0x0] =	vst.idx.add.f32.msk $0xffff, v8  }
0x11a: {  	v2 =	vadd.s32 v3, v2;
	v4 =	vperm.xlane v19, v21;
	v8 =	vld [tilespmem:s12+$0xFFFFFD70]  }
0x11b: {  	[tilespmem:v5+s10+$0x0] =	vst.idx.add.f32.msk $0xffff, v7  }
0x11c: {  	v7 =	vld [tilespmem:s12+$0xFFFFFF60];
	v5 =	vadd.s32 v51, v4  }
0x11d: {  	[tilespmem:v1+s10+$0x0] =	vst.idx.add.f32.msk $0xffff, v6  }
0x11e: {  	v4 =	vadd.s32 v3, v4;
	v1 =	vperm.xlane v20, v21;
	v6 =	vld [tilespmem:s12+$0xFFFFFF70]  }
0x11f: {  	[tilespmem:v2+s10+$0x0] =	vst.idx.add.f32.msk $0xffff, v8  }
0x120: {  	v2 =	vadd.s32 v51, v1;
	v8 =	vld [tilespmem:s12+$0x160]  }
0x121: {  	[tilespmem:v5+s10+$0x0] =	vst.idx.add.f32.msk $0xffff, v7  }
0x122: {  	v1 =	vadd.s32 v3, v1;
	v5 =	vperm.xlane v0, v23;
	v7 =	vld [tilespmem:s12+$0x170]  }
0x123: {  	[tilespmem:v4+s10+$0x0] =	vst.idx.add.f32.msk $0xffff, v6  }
0x124: {  	v6 =	vld [tilespmem:s12+$0xFFFFFD80];
	v4 =	vadd.s32 v51, v5  }
0x125: {  	[tilespmem:v2+s10+$0x0] =	vst.idx.add.f32.msk $0xffff, v8  }
0x126: {  	v5 =	vadd.s32 v3, v5;
	v2 =	vperm.xlane v19, v23;
	v8 =	vld [tilespmem:s12+$0xFFFFFD90]  }
0x127: {  	[tilespmem:v1+s10+$0x0] =	vst.idx.add.f32.msk $0xffff, v7  }
0x128: {  	v1 =	vadd.s32 v51, v2;
	v7 =	vld [tilespmem:s12+$0xFFFFFF80]  }
0x129: {  	[tilespmem:v4+s10+$0x0] =	vst.idx.add.f32.msk $0xffff, v6  }
0x12a: {  	v2 =	vadd.s32 v3, v2;
	v4 =	vperm.xlane v20, v23;
	v6 =	vld [tilespmem:s12+$0xFFFFFF90]  }
0x12b: {  	[tilespmem:v5+s10+$0x0] =	vst.idx.add.f32.msk $0xffff, v8  }
0x12c: {  	v8 =	vld [tilespmem:s12+$0x180];
	v5 =	vadd.s32 v51, v4  }
0x12d: {  	[tilespmem:v1+s10+$0x0] =	vst.idx.add.f32.msk $0xffff, v7  }
0x12e: {  	v4 =	vadd.s32 v3, v4;
	v1 =	vperm.xlane v0, v24;
	v7 =	vld [tilespmem:s12+$0x190]  }
0x12f: {  	[tilespmem:v2+s10+$0x0] =	vst.idx.add.f32.msk $0xffff, v6  }
0x130: {  	v2 =	vadd.s32 v51, v1;
	v6 =	vld [tilespmem:s12+$0xFFFFFDA0]  }
0x131: {  	[tilespmem:v5+s10+$0x0] =	vst.idx.add.f32.msk $0xffff, v8  }
0x132: {  	v1 =	vadd.s32 v3, v1;
	v5 =	vperm.xlane v19, v24;
	v8 =	vld [tilespmem:s12+$0xFFFFFDB0]  }
0x133: {  	[tilespmem:v4+s10+$0x0] =	vst.idx.add.f32.msk $0xffff, v7  }
0x134: {  	v7 =	vld [tilespmem:s12+$0xFFFFFFA0];
	v4 =	vadd.s32 v51, v5  }
0x135: {  	[tilespmem:v2+s10+$0x0] =	vst.idx.add.f32.msk $0xffff, v6  }
0x136: {  	v5 =	vadd.s32 v3, v5;
	v2 =	vperm.xlane v20, v24;
	v6 =	vld [tilespmem:s12+$0xFFFFFFB0]  }
0x137: {  	[tilespmem:v1+s10+$0x0] =	vst.idx.add.f32.msk $0xffff, v8  }
0x138: {  	v1 =	vadd.s32 v51, v2;
	v8 =	vld [tilespmem:s12+$0x1A0]  }
0x139: {  	[tilespmem:v4+s10+$0x0] =	vst.idx.add.f32.msk $0xffff, v7  }
0x13a: {  	v2 =	vadd.s32 v3, v2;
	v4 =	vperm.xlane v0, v25;
	v7 =	vld [tilespmem:s12+$0x1B0]  }
0x13b: {  	[tilespmem:v5+s10+$0x0] =	vst.idx.add.f32.msk $0xffff, v6  }
0x13c: {  	v6 =	vld [tilespmem:s12+$0xFFFFFDC0];
	v5 =	vadd.s32 v51, v4  }
0x13d: {  	[tilespmem:v1+s10+$0x0] =	vst.idx.add.f32.msk $0xffff, v8  }
0x13e: {  	v4 =	vadd.s32 v3, v4;
	v1 =	vperm.xlane v19, v25;
	v8 =	vld [tilespmem:s12+$0xFFFFFDD0]  }
0x13f: {  	[tilespmem:v2+s10+$0x0] =	vst.idx.add.f32.msk $0xffff, v7  }
0x140: {  	v2 =	vadd.s32 v51, v1;
	v7 =	vld [tilespmem:s12+$0xFFFFFFC0]  }
0x141: {  	[tilespmem:v5+s10+$0x0] =	vst.idx.add.f32.msk $0xffff, v6  }
0x142: {  	v1 =	vadd.s32 v3, v1;
	v5 =	vld [tilespmem:s12+$0xFFFFFFD0]  }
0x143: {  	v6 =	vperm.xlane v20, v25;
	[tilespmem:v4+s10+$0x0] =	vst.idx.add.f32.msk $0xffff, v8  }
0x144: {  	v4 =	vld [tilespmem:s12+$0x1C0]  }
0x145: {  	v8 =	vadd.s32 v51, v6;
	[tilespmem:v2+s10+$0x0] =	vst.idx.add.f32.msk $0xffff, v7  }
0x146: {  	v6 =	vadd.s32 v3, v6;
	v2 =	vperm.xlane v0, v26;
	v7 =	vld [tilespmem:s12+$0x1D0]  }
0x147: {  	[tilespmem:v1+s10+$0x0] =	vst.idx.add.f32.msk $0xffff, v5  }
0x148: {  	v1 =	vadd.s32 v51, v2;
	v5 =	vld [tilespmem:s12+$0xFFFFFDE0]  }
0x149: {  	v63 =	vld [tilespmem:s12+$0xFFFFFDF0]  }
0x14a: {  	v2 =	vadd.s32 v3, v2;
	[tilespmem:v8+s10+$0x0] =	vst.idx.add.f32.msk $0xffff, v4;
	v4 =	vperm.xlane v19, v26  }
0x14b: {  	[tilespmem:v6+s10+$0x0] =	vst.idx.add.f32.msk $0xffff, v7  }
0x14c: {  	v7 =	vld [tilespmem:s12+$0xFFFFFFE0];
	v6 =	vadd.s32 v51, v4  }
0x14d: {  	[tilespmem:v1+s10+$0x0] =	vst.idx.add.f32.msk $0xffff, v5  }
0x14e: {  	v1 =	vld [tilespmem:s12+$0xFFFFFFF0]  }
0x14f: {  	[tilespmem:v2+s10+$0x0] =	vst.idx.add.f32.msk $0xffff, v63  }
0x150: {  	v5 =	vperm.xlane v20, v26;
	v2 =	vld [tilespmem:s12+$0x1E0]  }
0x151: {  	[tilespmem:v6+s10+$0x0] =	vst.idx.add.f32.msk $0xffff, v7  }
0x152: {  	s14 =	simm.s32 $0x860;
	s13 =	simm.s32 $0x0;
	v0 =	vadd.s32 v51, v5;
	v52 =	vadd.s32 v3, v5;
	v6 =	vadd.s32 v3, v4;
	v4 =	vld [tilespmem:s12+$0x1F0]  }
.LBB2_6:
0x153: {  	v20 =	vld [tilespmem:s14+$0x10]  }
0x154: {  	v19 =	vld [tilespmem:s14+$0xFFFFFFF0]  }
0x155: {  	v40 =	vld [tilespmem:s14+$0x0]  }
0x156: {  	v41 =	vld [tilespmem:s14+$0xFFFFFFE0];
	s12 =	sadd.s32 $0x800, s12  }
0x157: {  	v7 =	vld [tilespmem:s12+$0x200]  }
0x158: {  	v10 =	vld [tilespmem:s12+$0x210]  }
0x159: {  	v15 =	vld [tilespmem:s12+$0xFFFFFC00]  }
0x15a: {  	[tilespmem:v6+s10+$0x0] =	vst.idx.add.f32.msk $0xffff, v1;
	v1 =	vperm.xlane v20, v12  }
0x15b: {  	v16 =	vld [tilespmem:s12+$0xFFFFFC10]  }
0x15c: {  	[tilespmem:v0+s10+$0x0] =	vst.idx.add.f32.msk $0xffff, v2;
	v8 =	vadd.s32 v51, v1  }
0x15d: {  	[tilespmem:v52+s10+$0x0] =	vst.idx.add.f32.msk $0xffff, v4;
	v1 =	vadd.s32 v3, v1  }
0x15e: {  	v4 =	vperm.xlane v40, v12;
	v23 =	vld [tilespmem:s12+$0xFFFFFE00]  }
0x15f: {  	v9 =	vperm.xlane v41, v12;
	v26 =	vld [tilespmem:s12+$0xFFFFFE10]  }
0x160: {  	v2 =	vperm.xlane v19, v12;
	v31 =	vld [tilespmem:s12+$0x0];
	v29 =	vadd.s32 v51, v4;
	v30 =	vadd.s32 v3, v4  }
0x161: {  	v17 =	vadd.s32 v51, v9;
	v4 =	vperm.xlane v20, v13;
	[tilespmem:v8+s10+$0x0] =	vst.idx.add.f32.msk $0xffff, v7  }
0x162: {  	v5 =	vperm.xlane v19, v13;
	v14 =	vadd.s32 v51, v2;
	[tilespmem:v1+s10+$0x0] =	vst.idx.add.f32.msk $0xffff, v10  }
0x163: {  	v6 =	vperm.xlane v40, v13;
	v24 =	vadd.s32 v3, v2;
	v11 =	vadd.s32 v51, v4;
	v8 =	vld [tilespmem:s12+$0x220]  }
0x164: {  	v2 =	vperm.xlane v41, v13;
	v0 =	vadd.s32 v51, v5;
	v25 =	vadd.s32 v3, v4;
	v13 =	vld [tilespmem:s12+$0x230]  }
0x165: {  	v33 =	vld [tilespmem:s12+$0x10];
	[tilespmem:$0x1FD30] =	vst v0  }
0x166: {  	[tilespmem:v17+s10+$0x0] =	vst.idx.add.f32.msk $0xffff, v15  }
0x167: {  	[tilespmem:v14+s10+$0x0] =	vst.idx.add.f32.msk $0xffff, v23  }
0x168: {  	v28 =	vperm.xlane v20, v22;
	v18 =	vadd.s32 v3, v9;
	[tilespmem:v11+s10+$0x0] =	vst.idx.add.f32.msk $0xffff, v8  }
0x169: {  	v0 =	vadd.s32 v3, v5;
	[tilespmem:v25+s10+$0x0] =	vst.idx.add.f32.msk $0xffff, v13  }
0x16a: {  	v53 =	vadd.s32 v51, v28;
	[tilespmem:$0x1FD40] =	vst v0;
	v0 =	vadd.s32 v51, v6;
	v25 =	vld [tilespmem:s12+$0x240]  }
0x16b: {  	v28 =	vadd.s32 v3, v28;
	[tilespmem:$0x1FD50] =	vst v0;
	v35 =	vld [tilespmem:s12+$0x250]  }
0x16c: {  	[tilespmem:v29+s10+$0x0] =	vst.idx.add.f32.msk $0xffff, v31  }
0x16d: {  	v52 =	vperm.xlane v41, v38;
	[tilespmem:v18+s10+$0x0] =	vst.idx.add.f32.msk $0xffff, v16  }
0x16e: {  	v54 =	vperm.xlane v20, v38;
	v49 =	vadd.s32 v51, v2;
	[tilespmem:v30+s10+$0x0] =	vst.idx.add.f32.msk $0xffff, v33  }
0x16f: {  	v0 =	vadd.s32 v3, v2;
	v2 =	vperm.xlane v41, v22;
	[tilespmem:v53+s10+$0x0] =	vst.idx.add.f32.msk $0xffff, v25  }
0x170: {  	v50 =	vimm.s32 $0x7;
	v12 =	vperm.xlane v19, v38;
	v5 =	vperm.xlane v19, v22;
	[tilespmem:v28+s10+$0x0] =	vst.idx.add.f32.msk $0xffff, v35  }
0x171: {  	v27 =	vperm.xlane v40, v38;
	v38 =	vadd.s32 v51, v54;
	[tilespmem:$0x1FD20] =	vst v0;
	v0 =	vadd.s32 v3, v2;
	v57 =	vld [tilespmem:s12+$0x260]  }
0x172: {  	v39 =	vadd.s32 v3, v54;
	v7 =	vperm.xlane v40, v22;
	[tilespmem:$0x1FD60] =	vst v0;
	v0 =	vadd.s32 v51, v5;
	v58 =	vld [tilespmem:s12+$0x270]  }
0x173: {  	v32 =	vperm.xlane v41, v42;
	v34 =	vperm.xlane v19, v42;
	[tilespmem:$0x1FD70] =	vst v0;
	v0 =	vadd.s32 v3, v5  }
0x174: {  	v37 =	vperm.xlane v40, v42;
	v61 =	vperm.xlane v20, v42;
	[tilespmem:$0x1FD80] =	vst v0;
	v0 =	vadd.s32 v51, v7  }
0x175: {  	v62 =	vperm.xlane v41, v50;
	v42 =	vperm.xlane v20, v44;
	[tilespmem:$0x1FD90] =	vst v0  }
0x176: {  	v46 =	vadd.s32 v51, v61;
	v48 =	vadd.s32 v3, v61;
	[tilespmem:v38+s10+$0x0] =	vst.idx.add.f32.msk $0xffff, v57  }
0x177: {  	v9 =	vperm.xlane v40, v50;
	v4 =	vimm.s32 $0x8;
	v0 =	vadd.s32 v3, v7;
	[tilespmem:v39+s10+$0x0] =	vst.idx.add.f32.msk $0xffff, v58  }
0x178: {  	v15 =	vadd.s32 v51, v34;
	v23 =	vadd.s32 v51, v37;
	[tilespmem:$0x1FDA0] =	vst v0;
	v0 =	vadd.s32 v51, v52;
	v45 =	vld [tilespmem:s12+$0x280]  }
0x179: {  	v10 =	vadd.s32 v51, v2;
	v2 =	vimm.s32 $0x6;
	[tilespmem:$0x1FDB0] =	vst v0;
	v0 =	vadd.s32 v3, v52;
	v47 =	vld [tilespmem:s12+$0x290]  }
0x17a: {  	v59 =	vperm.xlane v41, v2;
	v43 =	vperm.xlane v40, v2;
	[tilespmem:$0x1FDC0] =	vst v0;
	v0 =	vadd.s32 v3, v27  }
0x17b: {  	v14 =	vadd.s32 v3, v37;
	v18 =	vadd.s32 v3, v34;
	[tilespmem:$0x1FDD0] =	vst v0;
	v0 =	vadd.s32 v3, v62  }
0x17c: {  	v30 =	vadd.s32 v3, v59;
	v34 =	vadd.s32 v51, v43;
	[tilespmem:$0x1FDE0] =	vst v0;
	v53 =	vperm.xlane v41, v4  }
0x17d: {  	v29 =	vadd.s32 v3, v43;
	v43 =	vadd.s32 v3, v9;
	[tilespmem:v46+s10+$0x0] =	vst.idx.add.f32.msk $0xffff, v45  }
0x17e: {  	v5 =	vimm.s32 $0x9;
	v35 =	vadd.s32 v51, v59;
	v0 =	vadd.s32 v51, v53;
	[tilespmem:v48+s10+$0x0] =	vst.idx.add.f32.msk $0xffff, v47  }
0x17f: {  	v59 =	vadd.s32 v51, v42;
	[tilespmem:$0x1FDF0] =	vst v0;
	v0 =	vadd.s32 v3, v53;
	v39 =	vadd.s32 v51, v9;
	v9 =	vld [tilespmem:s12+$0x2A0]  }
0x180: {  	v37 =	vadd.s32 v51, v62;
	[tilespmem:$0x1FE00] =	vst v0;
	v0 =	vadd.s32 v3, v42;
	v58 =	vperm.xlane v41, v5;
	v62 =	vld [tilespmem:s12+$0x2B0]  }
0x181: {  	v60 =	vperm.xlane v19, v2  }
0x182: {  	[tilespmem:v24+s10+$0x0] =	vst.idx.add.f32.msk $0xffff, v26;
	v7 =	vadd.s32 v3, v58  }
0x183: {  	v33 =	vadd.s32 v51, v60;
	v8 =	vld [tilespmem:$0x1FD30];
	[tilespmem:$0x1FE10] =	vst v7;
	v7 =	vimm.s32 $0xA  }
0x184: {  	v31 =	vadd.s32 v3, v60;
	v60 =	vperm.xlane v41, v7;
	[tilespmem:v59+s10+$0x0] =	vst.idx.add.f32.msk $0xffff, v9  }
0x185: {  	v56 =	vperm.xlane v40, v44;
	[tilespmem:v0+s10+$0x0] =	vst.idx.add.f32.msk $0xffff, v62;
	v0 =	vperm.xlane v19, v7  }
0x186: {  	v52 =	vld [tilespmem:s12+$0xFFFFFC20];
	v9 =	vperm.xlane v20, v2;
	v2 =	vadd.s32 v51, v60  }
0x187: {  	v26 =	vadd.s32 v51, v56;
	v24 =	vadd.s32 v3, v56;
	v56 =	vld [tilespmem:s12+$0xFFFFFE20];
	[tilespmem:$0x1FE20] =	vst v2;
	v2 =	vadd.s32 v51, v0  }
0x188: {  	v36 =	vperm.xlane v41, v44;
	[tilespmem:$0x1FE30] =	vst v2;
	v2 =	vld [tilespmem:$0x1FD20]  }
0x189: {  	v55 =	vperm.xlane v19, v44;
	v63 =	vperm.xlane v19, v50;
	v17 =	vadd.s32 v3, v32  }
0x18a: {  	v16 =	vadd.s32 v51, v32;
	v32 =	vadd.s32 v51, v36;
	v54 =	vld [tilespmem:s12+$0xFFFFFC30];
	v13 =	vadd.s32 v51, v27  }
0x18b: {  	v27 =	vadd.s32 v3, v36;
	v36 =	vadd.s32 v51, v63;
	[tilespmem:v49+s10+$0x0] =	vst.idx.add.f32.msk $0xffff, v52  }
0x18c: {  	v1 =	vld [tilespmem:s12+$0xFFFFFE30];
	v25 =	vadd.s32 v3, v55;
	v28 =	vadd.s32 v51, v55;
	v57 =	vperm.xlane v19, v5  }
0x18d: {  	v55 =	vperm.xlane v40, v4;
	[tilespmem:v8+s10+$0x0] =	vst.idx.add.f32.msk $0xffff, v56;
	v38 =	vadd.s32 v3, v63  }
0x18e: {  	v63 =	vperm.xlane v19, v4;
	v53 =	vadd.s32 v3, v57;
	v21 =	vperm.xlane v40, v7  }
0x18f: {  	v45 =	vadd.s32 v51, v55;
	v46 =	vadd.s32 v3, v55;
	v55 =	vadd.s32 v51, v58  }
0x190: {  	[tilespmem:v2+s10+$0x0] =	vst.idx.add.f32.msk $0xffff, v54;
	v54 =	vadd.s32 v3, v0;
	v0 =	vadd.s32 v51, v21;
	v2 =	vimm.s32 $0xB  }
0x191: {  	v56 =	vadd.s32 v3, v21;
	v47 =	vadd.s32 v51, v63;
	[tilespmem:$0x1FE40] =	vst v0;
	v0 =	vperm.xlane v41, v2  }
0x192: {  	v48 =	vadd.s32 v3, v63;
	v63 =	vperm.xlane v40, v5;
	v21 =	vperm.xlane v19, v2  }
0x193: {  	v58 =	vadd.s32 v51, v57;
	v52 =	vperm.xlane v40, v2;
	v8 =	vadd.s32 v51, v0  }
0x194: {  	v57 =	vadd.s32 v51, v63;
	v62 =	vadd.s32 v3, v63;
	v63 =	vld [tilespmem:s12+$0x2C0];
	[tilespmem:$0x1FE50] =	vst v8;
	v8 =	vadd.s32 v3, v21  }
0x195: {  	v42 =	vadd.s32 v51, v9;
	v22 =	vld [tilespmem:s12+$0x2D0];
	[tilespmem:$0x1FE80] =	vst v8;
	v8 =	vadd.s32 v51, v52  }
0x196: {  	v59 =	vadd.s32 v3, v9;
	[tilespmem:$0x1FE90] =	vst v8;
	v8 =	vld [tilespmem:$0x1FD40];
	_ =	sdelay $0x3  }
0x197: {  	[tilespmem:v42+s10+$0x0] =	vst.idx.add.f32.msk $0xffff, v63  }
0x198: {  	[tilespmem:v59+s10+$0x0] =	vst.idx.add.f32.msk $0xffff, v22;
	v0 =	vadd.s32 v3, v0  }
0x199: {  	[tilespmem:$0x1FE60] =	vst v0;
	v0 =	vadd.s32 v51, v21  }
0x19a: {  	v63 =	vperm.xlane v20, v50;
	[tilespmem:$0x1FE70] =	vst v0;
	v0 =	vld [tilespmem:s12+$0x2E0]  }
0x19b: {  	[tilespmem:v8+s10+$0x0] =	vst.idx.add.f32.msk $0xffff, v1  }
0x19c: {  	v22 =	vadd.s32 v51, v63;
	v8 =	vld [tilespmem:$0x1FD50]  }
0x19d: {  	v59 =	vld [tilespmem:s12+$0x2F0];
	v42 =	vadd.s32 v3, v63;
	_ =	sdelay $0x1  }
0x19e: {  	v61 =	vld [tilespmem:s12+$0x20]  }
0x19f: {  	v44 =	vld [tilespmem:s12+$0x30]  }
0x1a0: {  	v6 =	vadd.s32 v3, v6;
	v50 =	vimm.s32 $0xC;
	[tilespmem:v22+s10+$0x0] =	vst.idx.add.f32.msk $0xffff, v0  }
0x1a1: {  	v49 =	vperm.xlane v41, v50;
	[tilespmem:v42+s10+$0x0] =	vst.idx.add.f32.msk $0xffff, v59;
	v1 =	vadd.s32 v3, v52  }
0x1a2: {  	[tilespmem:$0x1FEA0] =	vst v1  }
0x1a3: {  	[tilespmem:v8+s10+$0x0] =	vst.idx.add.f32.msk $0xffff, v61;
	v8 =	vadd.s32 v51, v49  }
0x1a4: {  	v1 =	vperm.xlane v19, v50;
	[tilespmem:$0x1FEB0] =	vst v8  }
0x1a5: {  	v52 =	vperm.xlane v40, v50;
	v8 =	vadd.s32 v3, v49;
	[tilespmem:v6+s10+$0x0] =	vst.idx.add.f32.msk $0xffff, v44  }
0x1a6: {  	v6 =	vadd.s32 v51, v1;
	v1 =	vadd.s32 v3, v1;
	[tilespmem:$0x1FEC0] =	vst v8  }
0x1a7: {  	v0 =	vperm.xlane v20, v4;
	[tilespmem:$0x1FEE0] =	vst v1;
	v1 =	vadd.s32 v51, v52;
	v8 =	vimm.s32 $0xD  }
0x1a8: {  	[tilespmem:$0x1FEF0] =	vst v1;
	v1 =	vperm.xlane v41, v8  }
0x1a9: {  	v22 =	vadd.s32 v51, v0;
	v4 =	vadd.s32 v3, v52;
	[tilespmem:$0x1FED0] =	vst v6;
	v6 =	vld [tilespmem:s12+$0x300]  }
0x1aa: {  	[tilespmem:$0x1FF00] =	vst v4;
	v49 =	vperm.xlane v19, v8;
	v4 =	vadd.s32 v51, v1  }
0x1ab: {  	v59 =	vld [tilespmem:s12+$0x310];
	v0 =	vadd.s32 v3, v0;
	v1 =	vadd.s32 v3, v1;
	[tilespmem:$0x1FF10] =	vst v4  }
0x1ac: {  	[tilespmem:$0x1FF20] =	vst v1;
	v4 =	vadd.s32 v51, v49  }
0x1ad: {  	[tilespmem:$0x1FF30] =	vst v4  }
0x1ae: {  	v52 =	vperm.xlane v40, v8;
	v4 =	vadd.s32 v3, v49;
	[tilespmem:v22+s10+$0x0] =	vst.idx.add.f32.msk $0xffff, v6  }
0x1af: {  	v9 =	vimm.s32 $0xE;
	[tilespmem:$0x1FF40] =	vst v4  }
0x1b0: {  	v49 =	vperm.xlane v19, v9;
	v4 =	vadd.s32 v51, v52;
	[tilespmem:v0+s10+$0x0] =	vst.idx.add.f32.msk $0xffff, v59  }
0x1b1: {  	[tilespmem:$0x1FF50] =	vst v4;
	v4 =	vadd.s32 v3, v52;
	v52 =	vperm.xlane v40, v9  }
0x1b2: {  	v1 =	vperm.xlane v41, v9;
	v0 =	vadd.s32 v3, v49;
	[tilespmem:$0x1FF60] =	vst v4  }
0x1b3: {  	v21 =	vimm.s32 $0xF;
	[tilespmem:$0x1FFA0] =	vst v0;
	v0 =	vadd.s32 v51, v52  }
0x1b4: {  	v4 =	vadd.s32 v51, v1;
	[tilespmem:$0x1FFB0] =	vst v0;
	v0 =	vperm.xlane v41, v21  }
0x1b5: {  	[tilespmem:$0x1FF70] =	vst v4;
	v4 =	vadd.s32 v3, v52  }
0x1b6: {  	v61 =	vld [tilespmem:s12+$0xFFFFFC40];
	[tilespmem:$0x1FFC0] =	vst v4;
	v4 =	vadd.s32 v51, v0  }
0x1b7: {  	[tilespmem:$0x1FFD0] =	vst v4;
	v4 =	vld [tilespmem:$0x1FD60];
	_ =	sdelay $0x2  }
0x1b8: {  	v63 =	vld [tilespmem:s12+$0xFFFFFC50]  }
0x1b9: {  	[tilespmem:v10+s10+$0x0] =	vst.idx.add.f32.msk $0xffff, v61;
	v1 =	vadd.s32 v3, v1  }
0x1ba: {  	[tilespmem:$0x1FF80] =	vst v1;
	v1 =	vadd.s32 v51, v49  }
0x1bb: {  	v6 =	vperm.xlane v20, v5;
	[tilespmem:$0x1FF90] =	vst v1;
	v1 =	vld [tilespmem:s12+$0x320]  }
0x1bc: {  	v41 =	vld [tilespmem:s12+$0x330]  }
0x1bd: {  	v22 =	vadd.s32 v51, v6;
	[tilespmem:v4+s10+$0x0] =	vst.idx.add.f32.msk $0xffff, v63  }
0x1be: {  	v49 =	vadd.s32 v3, v6;
	v4 =	vld [tilespmem:$0x1FD70]  }
0x1bf: {  	v5 =	vld [tilespmem:$0x1FD80]  }
0x1c0: {  	v42 =	vld [tilespmem:s12+$0xFFFFFE40]  }
0x1c1: {  	v59 =	vld [tilespmem:s12+$0xFFFFFE50]  }
0x1c2: {  	[tilespmem:v22+s10+$0x0] =	vst.idx.add.f32.msk $0xffff, v1  }
0x1c3: {  	[tilespmem:v49+s10+$0x0] =	vst.idx.add.f32.msk $0xffff, v41  }
0x1c4: {  	v49 =	vld [tilespmem:s12+$0x340]  }
0x1c5: {  	v1 =	vperm.xlane v20, v7;
	v41 =	vld [tilespmem:s12+$0x350]  }
0x1c6: {  	[tilespmem:v4+s10+$0x0] =	vst.idx.add.f32.msk $0xffff, v42  }
0x1c7: {  	v22 =	vadd.s32 v51, v1;
	[tilespmem:v5+s10+$0x0] =	vst.idx.add.f32.msk $0xffff, v59  }
0x1c8: {  	v1 =	vadd.s32 v3, v1;
	v5 =	vld [tilespmem:$0x1FD90];
	_ =	sdelay $0x1  }
0x1c9: {  	v44 =	vld [tilespmem:s12+$0x50]  }
0x1ca: {  	v52 =	vperm.xlane v40, v21;
	v40 =	vld [tilespmem:s12+$0x40]  }
0x1cb: {  	[tilespmem:v22+s10+$0x0] =	vst.idx.add.f32.msk $0xffff, v49  }
0x1cc: {  	v2 =	vperm.xlane v20, v2;
	[tilespmem:v1+s10+$0x0] =	vst.idx.add.f32.msk $0xffff, v41  }
0x1cd: {  	v1 =	vld [tilespmem:s12+$0x360]  }
0x1ce: {  	v49 =	vld [tilespmem:s12+$0x370];
	v4 =	vadd.s32 v51, v2  }
0x1cf: {  	v2 =	vadd.s32 v3, v2;
	[tilespmem:v5+s10+$0x0] =	vst.idx.add.f32.msk $0xffff, v40  }
0x1d0: {  	v5 =	vld [tilespmem:$0x1FDA0];
	_ =	sdelay $0x2  }
0x1d1: {  	[tilespmem:v4+s10+$0x0] =	vst.idx.add.f32.msk $0xffff, v1;
	v1 =	vperm.xlane v20, v50  }
0x1d2: {  	[tilespmem:v2+s10+$0x0] =	vst.idx.add.f32.msk $0xffff, v49  }
0x1d3: {  	v2 =	vld [tilespmem:s12+$0x380];
	v4 =	vadd.s32 v51, v1;
	_ =	sdelay $0x2  }
0x1d4: {  	[tilespmem:v5+s10+$0x0] =	vst.idx.add.f32.msk $0xffff, v44  }
0x1d5: {  	v5 =	vld [tilespmem:s12+$0x390]  }
0x1d6: {  	[tilespmem:v4+s10+$0x0] =	vst.idx.add.f32.msk $0xffff, v2  }
0x1d7: {  	v1 =	vadd.s32 v3, v1;
	v2 =	vperm.xlane v20, v8;
	v8 =	vld [tilespmem:$0x1FDB0];
	_ =	sdelay $0x1  }
0x1d8: {  	v7 =	vld [tilespmem:s12+$0xFFFFFC60]  }
0x1d9: {  	v61 =	vld [tilespmem:s12+$0xFFFFFC70]  }
0x1da: {  	v63 =	vld [tilespmem:s12+$0xFFFFFE60]  }
0x1db: {  	[tilespmem:v1+s10+$0x0] =	vst.idx.add.f32.msk $0xffff, v5  }
0x1dc: {  	v11 =	vadd.s32 v51, v12;
	v1 =	vld [tilespmem:s12+$0x3A0]  }
0x1dd: {  	v5 =	vld [tilespmem:s12+$0x3B0]  }
0x1de: {  	v4 =	vadd.s32 v51, v2;
	[tilespmem:v8+s10+$0x0] =	vst.idx.add.f32.msk $0xffff, v7  }
0x1df: {  	v2 =	vadd.s32 v3, v2;
	v7 =	vld [tilespmem:$0x1FDC0]  }
0x1e0: {  	v22 =	vld [tilespmem:s12+$0xFFFFFE70]  }
0x1e1: {  	[tilespmem:v11+s10+$0x0] =	vst.idx.add.f32.msk $0xffff, v63  }
0x1e2: {  	v40 =	vld [tilespmem:s12+$0x60]  }
0x1e3: {  	[tilespmem:v4+s10+$0x0] =	vst.idx.add.f32.msk $0xffff, v1;
	v1 =	vperm.xlane v20, v9  }
0x1e4: {  	[tilespmem:v2+s10+$0x0] =	vst.idx.add.f32.msk $0xffff, v5  }
0x1e5: {  	v2 =	vld [tilespmem:s12+$0x3C0];
	v4 =	vadd.s32 v51, v1  }
0x1e6: {  	v5 =	vld [tilespmem:s12+$0x3D0];
	v1 =	vadd.s32 v3, v1  }
0x1e7: {  	[tilespmem:v7+s10+$0x0] =	vst.idx.add.f32.msk $0xffff, v61  }
0x1e8: {  	v12 =	vadd.s32 v3, v12;
	v7 =	vld [tilespmem:$0x1FDD0]  }
0x1e9: {  	v49 =	vld [tilespmem:s12+$0x70]  }
0x1ea: {  	[tilespmem:v4+s10+$0x0] =	vst.idx.add.f32.msk $0xffff, v2;
	v2 =	vperm.xlane v20, v21  }
0x1eb: {  	[tilespmem:v1+s10+$0x0] =	vst.idx.add.f32.msk $0xffff, v5  }
0x1ec: {  	v1 =	vld [tilespmem:s12+$0x3E0];
	v4 =	vadd.s32 v51, v2  }
0x1ed: {  	[tilespmem:v12+s10+$0x0] =	vst.idx.add.f32.msk $0xffff, v22  }
0x1ee: {  	[tilespmem:v13+s10+$0x0] =	vst.idx.add.f32.msk $0xffff, v40  }
0x1ef: {  	v5 =	vld [tilespmem:s12+$0x3F0];
	v2 =	vadd.s32 v3, v2  }
0x1f0: {  	[tilespmem:v7+s10+$0x0] =	vst.idx.add.f32.msk $0xffff, v49  }
0x1f1: {  	[tilespmem:v4+s10+$0x0] =	vst.idx.add.f32.msk $0xffff, v1  }
0x1f2: {  	v1 =	vld [tilespmem:s12+$0xFFFFFC80]  }
0x1f3: {  	v4 =	vld [tilespmem:s12+$0xFFFFFE80]  }
0x1f4: {  	[tilespmem:v2+s10+$0x0] =	vst.idx.add.f32.msk $0xffff, v5  }
0x1f5: {  	v2 =	vld [tilespmem:s12+$0xFFFFFC90]  }
0x1f6: {  	v7 =	vld [tilespmem:s12+$0x80]  }
0x1f7: {  	v8 =	vld [tilespmem:s12+$0x90]  }
0x1f8: {  	v5 =	vld [tilespmem:s12+$0xFFFFFE90]  }
0x1f9: {  	[tilespmem:v16+s10+$0x0] =	vst.idx.add.f32.msk $0xffff, v1  }
0x1fa: {  	[tilespmem:v17+s10+$0x0] =	vst.idx.add.f32.msk $0xffff, v2  }
0x1fb: {  	v1 =	vld [tilespmem:s12+$0xFFFFFCA0]  }
0x1fc: {  	v2 =	vld [tilespmem:s12+$0xFFFFFCB0]  }
0x1fd: {  	[tilespmem:v15+s10+$0x0] =	vst.idx.add.f32.msk $0xffff, v4  }
0x1fe: {  	[tilespmem:v23+s10+$0x0] =	vst.idx.add.f32.msk $0xffff, v7  }
0x1ff: {  	[tilespmem:v18+s10+$0x0] =	vst.idx.add.f32.msk $0xffff, v5  }
0x200: {  	[tilespmem:v32+s10+$0x0] =	vst.idx.add.f32.msk $0xffff, v1  }
0x201: {  	[tilespmem:v27+s10+$0x0] =	vst.idx.add.f32.msk $0xffff, v2  }
0x202: {  	v1 =	vld [tilespmem:s12+$0xFFFFFCC0]  }
0x203: {  	v2 =	vld [tilespmem:s12+$0xFFFFFCD0]  }
0x204: {  	[tilespmem:v14+s10+$0x0] =	vst.idx.add.f32.msk $0xffff, v8  }
0x205: {  	v4 =	vld [tilespmem:s12+$0xFFFFFEA0]  }
0x206: {  	v5 =	vld [tilespmem:s12+$0xFFFFFEB0]  }
0x207: {  	[tilespmem:v35+s10+$0x0] =	vst.idx.add.f32.msk $0xffff, v1  }
0x208: {  	[tilespmem:v30+s10+$0x0] =	vst.idx.add.f32.msk $0xffff, v2  }
0x209: {  	v1 =	vld [tilespmem:s12+$0xFFFFFCE0]  }
0x20a: {  	v7 =	vld [tilespmem:s12+$0xA0]  }
0x20b: {  	v8 =	vld [tilespmem:s12+$0xB0]  }
0x20c: {  	[tilespmem:v28+s10+$0x0] =	vst.idx.add.f32.msk $0xffff, v4  }
0x20d: {  	v2 =	vld [tilespmem:s12+$0xFFFFFCF0]  }
0x20e: {  	[tilespmem:v37+s10+$0x0] =	vst.idx.add.f32.msk $0xffff, v1  }
0x20f: {  	v1 =	vld [tilespmem:$0x1FDE0]  }
0x210: {  	[tilespmem:v25+s10+$0x0] =	vst.idx.add.f32.msk $0xffff, v5  }
0x211: {  	v4 =	vld [tilespmem:s12+$0xFFFFFEC0]  }
0x212: {  	v50 =	vld [tilespmem:$0x1FDF0]  }
0x213: {  	[tilespmem:v26+s10+$0x0] =	vst.idx.add.f32.msk $0xffff, v7  }
0x214: {  	v5 =	vld [tilespmem:s12+$0xFFFFFED0]  }
0x215: {  	[tilespmem:v24+s10+$0x0] =	vst.idx.add.f32.msk $0xffff, v8  }
0x216: {  	[tilespmem:v33+s10+$0x0] =	vst.idx.add.f32.msk $0xffff, v4  }
0x217: {  	[tilespmem:v1+s10+$0x0] =	vst.idx.add.f32.msk $0xffff, v2  }
0x218: {  	v1 =	vld [tilespmem:s12+$0xFFFFFD00]  }
0x219: {  	[tilespmem:v31+s10+$0x0] =	vst.idx.add.f32.msk $0xffff, v5  }
0x21a: {  	v4 =	vld [tilespmem:s12+$0xFFFFFEE0]  }
0x21b: {  	v5 =	vld [tilespmem:s12+$0xFFFFFEF0]  }
0x21c: {  	v2 =	vld [tilespmem:s12+$0xFFFFFD10]  }
0x21d: {  	[tilespmem:v50+s10+$0x0] =	vst.idx.add.f32.msk $0xffff, v1  }
0x21e: {  	v1 =	vld [tilespmem:$0x1FE00]  }
0x21f: {  	v7 =	vld [tilespmem:s12+$0xC0]  }
0x220: {  	v8 =	vld [tilespmem:s12+$0xD0]  }
0x221: {  	[tilespmem:v36+s10+$0x0] =	vst.idx.add.f32.msk $0xffff, v4  }
0x222: {  	[tilespmem:v38+s10+$0x0] =	vst.idx.add.f32.msk $0xffff, v5  }
0x223: {  	v4 =	vld [tilespmem:s12+$0xFFFFFF00]  }
0x224: {  	v5 =	vld [tilespmem:s12+$0xFFFFFF10]  }
0x225: {  	[tilespmem:v34+s10+$0x0] =	vst.idx.add.f32.msk $0xffff, v7  }
0x226: {  	[tilespmem:v1+s10+$0x0] =	vst.idx.add.f32.msk $0xffff, v2  }
0x227: {  	v1 =	vld [tilespmem:s12+$0xFFFFFD20]  }
0x228: {  	[tilespmem:v47+s10+$0x0] =	vst.idx.add.f32.msk $0xffff, v4  }
0x229: {  	[tilespmem:v48+s10+$0x0] =	vst.idx.add.f32.msk $0xffff, v5  }
0x22a: {  	v4 =	vld [tilespmem:s12+$0xFFFFFF20]  }
0x22b: {  	v2 =	vld [tilespmem:s12+$0xFFFFFD30]  }
0x22c: {  	[tilespmem:v55+s10+$0x0] =	vst.idx.add.f32.msk $0xffff, v1  }
0x22d: {  	v1 =	vld [tilespmem:$0x1FE10]  }
0x22e: {  	[tilespmem:v29+s10+$0x0] =	vst.idx.add.f32.msk $0xffff, v8  }
0x22f: {  	v7 =	vld [tilespmem:s12+$0xE0]  }
0x230: {  	v8 =	vld [tilespmem:s12+$0xF0]  }
0x231: {  	v5 =	vld [tilespmem:s12+$0xFFFFFF30]  }
0x232: {  	[tilespmem:v58+s10+$0x0] =	vst.idx.add.f32.msk $0xffff, v4  }
0x233: {  	v58 =	vld [tilespmem:$0x1FE20]  }
0x234: {  	[tilespmem:v39+s10+$0x0] =	vst.idx.add.f32.msk $0xffff, v7  }
0x235: {  	[tilespmem:v1+s10+$0x0] =	vst.idx.add.f32.msk $0xffff, v2  }
0x236: {  	v1 =	vld [tilespmem:s12+$0xFFFFFD40]  }
0x237: {  	[tilespmem:v43+s10+$0x0] =	vst.idx.add.f32.msk $0xffff, v8  }
0x238: {  	v7 =	vld [tilespmem:s12+$0x100]  }
0x239: {  	v8 =	vld [tilespmem:s12+$0x110]  }
0x23a: {  	v2 =	vld [tilespmem:s12+$0xFFFFFD50]  }
0x23b: {  	[tilespmem:v58+s10+$0x0] =	vst.idx.add.f32.msk $0xffff, v1  }
0x23c: {  	v1 =	vld [tilespmem:$0x1FE30]  }
0x23d: {  	[tilespmem:v45+s10+$0x0] =	vst.idx.add.f32.msk $0xffff, v7  }
0x23e: {  	[tilespmem:v53+s10+$0x0] =	vst.idx.add.f32.msk $0xffff, v5  }
0x23f: {  	v4 =	vld [tilespmem:s12+$0xFFFFFF40]  }
0x240: {  	[tilespmem:v46+s10+$0x0] =	vst.idx.add.f32.msk $0xffff, v8  }
0x241: {  	v7 =	vld [tilespmem:s12+$0x120]  }
0x242: {  	v8 =	vld [tilespmem:s12+$0x130]  }
0x243: {  	v5 =	vld [tilespmem:s12+$0xFFFFFF50]  }
0x244: {  	[tilespmem:v1+s10+$0x0] =	vst.idx.add.f32.msk $0xffff, v4  }
0x245: {  	v1 =	vld [tilespmem:$0x1FE40]  }
0x246: {  	[tilespmem:v57+s10+$0x0] =	vst.idx.add.f32.msk $0xffff, v7  }
0x247: {  	v60 =	vadd.s32 v3, v60;
	[tilespmem:v62+s10+$0x0] =	vst.idx.add.f32.msk $0xffff, v8  }
0x248: {  	v7 =	vld [tilespmem:s12+$0x140];
	_ =	sdelay $0x1  }
0x249: {  	v59 =	vld [tilespmem:$0x1FE50]  }
0x24a: {  	v8 =	vld [tilespmem:s12+$0x150]  }
0x24b: {  	[tilespmem:v60+s10+$0x0] =	vst.idx.add.f32.msk $0xffff, v2  }
0x24c: {  	[tilespmem:v1+s10+$0x0] =	vst.idx.add.f32.msk $0xffff, v7  }
0x24d: {  	v1 =	vld [tilespmem:s12+$0xFFFFFD60];
	_ =	sdelay $0x3  }
0x24e: {  	v2 =	vld [tilespmem:s12+$0xFFFFFD70]  }
0x24f: {  	[tilespmem:v59+s10+$0x0] =	vst.idx.add.f32.msk $0xffff, v1  }
0x250: {  	v1 =	vld [tilespmem:$0x1FE60];
	_ =	sdelay $0x7  }
0x251: {  	[tilespmem:v1+s10+$0x0] =	vst.idx.add.f32.msk $0xffff, v2  }
0x252: {  	v1 =	vld [tilespmem:$0x1FE70];
	_ =	sdelay $0x1  }
0x253: {  	[tilespmem:v54+s10+$0x0] =	vst.idx.add.f32.msk $0xffff, v5  }
0x254: {  	v4 =	vld [tilespmem:s12+$0xFFFFFF60];
	_ =	sdelay $0x3  }
0x255: {  	v5 =	vld [tilespmem:s12+$0xFFFFFF70]  }
0x256: {  	[tilespmem:v1+s10+$0x0] =	vst.idx.add.f32.msk $0xffff, v4  }
0x257: {  	v1 =	vld [tilespmem:$0x1FE80];
	_ =	sdelay $0x7  }
0x258: {  	[tilespmem:v1+s10+$0x0] =	vst.idx.add.f32.msk $0xffff, v5  }
0x259: {  	v1 =	vld [tilespmem:$0x1FE90];
	_ =	sdelay $0x1  }
0x25a: {  	[tilespmem:v56+s10+$0x0] =	vst.idx.add.f32.msk $0xffff, v8  }
0x25b: {  	v7 =	vld [tilespmem:s12+$0x160];
	_ =	sdelay $0x3  }
0x25c: {  	v8 =	vld [tilespmem:s12+$0x170]  }
0x25d: {  	[tilespmem:v1+s10+$0x0] =	vst.idx.add.f32.msk $0xffff, v7  }
0x25e: {  	v1 =	vld [tilespmem:$0x1FEA0];
	_ =	sdelay $0x5  }
0x25f: {  	v60 =	vld [tilespmem:$0x1FEB0];
	_ =	sdelay $0x1  }
0x260: {  	[tilespmem:v1+s10+$0x0] =	vst.idx.add.f32.msk $0xffff, v8  }
0x261: {  	v1 =	vld [tilespmem:s12+$0xFFFFFD80];
	_ =	sdelay $0x3  }
0x262: {  	v2 =	vld [tilespmem:s12+$0xFFFFFD90]  }
0x263: {  	[tilespmem:v60+s10+$0x0] =	vst.idx.add.f32.msk $0xffff, v1  }
0x264: {  	v1 =	vld [tilespmem:$0x1FEC0];
	_ =	sdelay $0x7  }
0x265: {  	[tilespmem:v1+s10+$0x0] =	vst.idx.add.f32.msk $0xffff, v2  }
0x266: {  	v1 =	vld [tilespmem:$0x1FED0];
	_ =	sdelay $0x2  }
0x267: {  	v4 =	vld [tilespmem:s12+$0xFFFFFF80];
	_ =	sdelay $0x3  }
0x268: {  	v5 =	vld [tilespmem:s12+$0xFFFFFF90]  }
0x269: {  	[tilespmem:v1+s10+$0x0] =	vst.idx.add.f32.msk $0xffff, v4  }
0x26a: {  	v1 =	vld [tilespmem:$0x1FEE0];
	_ =	sdelay $0x7  }
0x26b: {  	[tilespmem:v1+s10+$0x0] =	vst.idx.add.f32.msk $0xffff, v5  }
0x26c: {  	v1 =	vld [tilespmem:$0x1FEF0];
	_ =	sdelay $0x2  }
0x26d: {  	v7 =	vld [tilespmem:s12+$0x180];
	_ =	sdelay $0x3  }
0x26e: {  	v8 =	vld [tilespmem:s12+$0x190]  }
0x26f: {  	[tilespmem:v1+s10+$0x0] =	vst.idx.add.f32.msk $0xffff, v7  }
0x270: {  	v1 =	vld [tilespmem:$0x1FF00];
	_ =	sdelay $0x5  }
0x271: {  	v61 =	vld [tilespmem:$0x1FF10];
	_ =	sdelay $0x1  }
0x272: {  	[tilespmem:v1+s10+$0x0] =	vst.idx.add.f32.msk $0xffff, v8  }
0x273: {  	v1 =	vld [tilespmem:s12+$0xFFFFFDA0];
	_ =	sdelay $0x3  }
0x274: {  	v2 =	vld [tilespmem:s12+$0xFFFFFDB0]  }
0x275: {  	[tilespmem:v61+s10+$0x0] =	vst.idx.add.f32.msk $0xffff, v1  }
0x276: {  	v1 =	vld [tilespmem:$0x1FF20];
	_ =	sdelay $0x7  }
0x277: {  	[tilespmem:v1+s10+$0x0] =	vst.idx.add.f32.msk $0xffff, v2  }
0x278: {  	v1 =	vld [tilespmem:$0x1FF30];
	_ =	sdelay $0x2  }
0x279: {  	v4 =	vld [tilespmem:s12+$0xFFFFFFA0];
	_ =	sdelay $0x3  }
0x27a: {  	v5 =	vld [tilespmem:s12+$0xFFFFFFB0]  }
0x27b: {  	[tilespmem:v1+s10+$0x0] =	vst.idx.add.f32.msk $0xffff, v4  }
0x27c: {  	v1 =	vld [tilespmem:$0x1FF40];
	_ =	sdelay $0x7  }
0x27d: {  	[tilespmem:v1+s10+$0x0] =	vst.idx.add.f32.msk $0xffff, v5  }
0x27e: {  	v1 =	vld [tilespmem:$0x1FF50];
	_ =	sdelay $0x2  }
0x27f: {  	v7 =	vld [tilespmem:s12+$0x1A0];
	_ =	sdelay $0x3  }
0x280: {  	v8 =	vld [tilespmem:s12+$0x1B0]  }
0x281: {  	[tilespmem:v1+s10+$0x0] =	vst.idx.add.f32.msk $0xffff, v7  }
0x282: {  	v1 =	vld [tilespmem:$0x1FF60];
	_ =	sdelay $0x5  }
0x283: {  	v62 =	vld [tilespmem:$0x1FF70];
	_ =	sdelay $0x1  }
0x284: {  	[tilespmem:v1+s10+$0x0] =	vst.idx.add.f32.msk $0xffff, v8  }
0x285: {  	v1 =	vld [tilespmem:s12+$0xFFFFFDC0];
	_ =	sdelay $0x3  }
0x286: {  	v2 =	vld [tilespmem:s12+$0xFFFFFDD0]  }
0x287: {  	[tilespmem:v62+s10+$0x0] =	vst.idx.add.f32.msk $0xffff, v1  }
0x288: {  	v1 =	vld [tilespmem:$0x1FF80];
	_ =	sdelay $0x7  }
0x289: {  	[tilespmem:v1+s10+$0x0] =	vst.idx.add.f32.msk $0xffff, v2  }
0x28a: {  	v1 =	vld [tilespmem:$0x1FF90];
	_ =	sdelay $0x2  }
0x28b: {  	v4 =	vld [tilespmem:s12+$0xFFFFFFC0];
	_ =	sdelay $0x3  }
0x28c: {  	v5 =	vld [tilespmem:s12+$0xFFFFFFD0]  }
0x28d: {  	[tilespmem:v1+s10+$0x0] =	vst.idx.add.f32.msk $0xffff, v4  }
0x28e: {  	v1 =	vld [tilespmem:$0x1FFA0];
	_ =	sdelay $0x7  }
0x28f: {  	[tilespmem:v1+s10+$0x0] =	vst.idx.add.f32.msk $0xffff, v5  }
0x290: {  	v1 =	vld [tilespmem:$0x1FFB0];
	_ =	sdelay $0x1  }
0x291: {  	v63 =	vld [tilespmem:$0x1FFD0]  }
0x292: {  	v7 =	vld [tilespmem:s12+$0x1C0];
	_ =	sdelay $0x1  }
0x293: {  	v5 =	vld [tilespmem:s12+$0xFFFFFDE0];
	_ =	sdelay $0x1  }
0x294: {  	v8 =	vld [tilespmem:s12+$0x1D0]  }
0x295: {  	v0 =	vadd.s32 v3, v0;
	[tilespmem:v1+s10+$0x0] =	vst.idx.add.f32.msk $0xffff, v7  }
0x296: {  	[tilespmem:$0x1FFE0] =	vst v0;
	v7 =	vld [tilespmem:s12+$0xFFFFFDF0]  }
0x297: {  	[tilespmem:v63+s10+$0x0] =	vst.idx.add.f32.msk $0xffff, v5  }
0x298: {  	v5 =	vld [tilespmem:$0x1FFE0];
	_ =	sdelay $0x2  }
0x299: {  	v1 =	vld [tilespmem:$0x1FFC0]  }
0x29a: {  	v6 =	vperm.xlane v19, v21;
	_ =	sdelay $0x1  }
0x29b: {  	v0 =	vadd.s32 v51, v6  }
0x29c: {  	[tilespmem:$0x1FFF0] =	vst v0  }
0x29d: {  	[tilespmem:v5+s10+$0x0] =	vst.idx.add.f32.msk $0xffff, v7  }
0x29e: {  	v5 =	vld [tilespmem:$0x1FFF0];
	_ =	sdelay $0x1  }
0x29f: {  	s13 =	sadd.s32 $0x4, s13;
	[tilespmem:v1+s10+$0x0] =	vst.idx.add.f32.msk $0xffff, v8  }
0x2a0: {  	p0 =	slt.u32 s13, $0x7C;
	v8 =	vld [tilespmem:s12+$0xFFFFFFE0]  }
.Ltmp2:
0x2a1: {  	_ = 	snop;
	(pc) =	sbr.rel @p0 .LBB2_6-.Ltmp2, $4  }
0x2a2: {  	v1 =	vld [tilespmem:s12+$0xFFFFFFF0]  }
0x2a3: {  	v6 =	vadd.s32 v3, v6;
	v0 =	vadd.s32 v51, v52;
	v52 =	vadd.s32 v3, v52;
	v2 =	vld [tilespmem:s12+$0x1E0]  }
0x2a4: {  	v42 =	vimm.s32 $0x4;
	v22 =	vimm.s32 $0x2;
	v12 =	vimm.s32 $0x0;
	v4 =	vld [tilespmem:s12+$0x1F0]  }
0x2a5: {  	s14 =	sadd.s32 $0x40, s14;
	v44 =	vimm.s32 $0x5;
	v13 =	vimm.s32 $0x1;
	v38 =	vimm.s32 $0x3;
	[tilespmem:v5+s10+$0x0] =	vst.idx.add.f32.msk $0xffff, v8  }
0x2a6: {  	_ =	sdelay $0x3  }
0x2a7: {  	s11 =	sadd.s32 $0x1, s11;
	[tilespmem:v6+s10+$0x0] =	vst.idx.add.f32.msk $0xffff, v1  }
0x2a8: {  	p0 =	sne.s32 s11, s6;
	[tilespmem:v0+s10+$0x0] =	vst.idx.add.f32.msk $0xffff, v2  }
.Ltmp3:
0x2a9: {  	[tilespmem:v52+s10+$0x0] =	vst.idx.add.f32.msk $0xffff, v4;
	(pc) =	sbr.rel @p0 .LBB2_1-.Ltmp3, $4  }
0x2aa: {  	v14 =	vimm.s32 $0x6;
	v15 =	vimm.s32 $0x7;
	[hbm4b:s5+s2] =	stream.linear.scatter [tilespmem:s10], [sflag:$0x2], $0x280, $0x38;
	[tilespmem:$0x11280] =	vst v63  }
0x2ab: {  	v16 =	vimm.s32 $0x8;
	v17 =	vimm.s32 $0x9;
	v18 =	vimm.s32 $0xA;
	_ =	swait.ge [sflag:s8], $0x280  }
0x2ac: {  	v21 =	vimm.s32 $0xB;
	v23 =	vimm.s32 $0xC;
	v24 =	vimm.s32 $0xD;
	[sflag:s8] =	ssyncset.done $0x0  }
0x2ad: {  	v25 =	vimm.s32 $0xE;
	v26 =	vimm.s32 $0xF;
	v0 =	vimm.f32 $0.0e+00;
	[sflag:s8] =	ssyncadd.s32 $0xFFFFFD80  }
0x2ae: {  	_ =	sfence.sel $0x180000  }
0x2af: {  	[bflag:$0x0] =	sbarrier.arrive $0xFFFF  }
0x2b0: {  	p0 =	sne.s32 s0, $0x0;
	_ =	strace $0x90000047  }
0x2b1: {  	s0 =	sadd.s32 @!p0 $0x100000, s1;
	[bflag:$0x2] =	sbarrier.arrive $0xFFFF  }
0x2b2: {  	[sflag:s0] =	ssyncadd.tile.s32 @!p0 $0x1;
	_ =	shalt  }
.Lfunc_end2:
_tile_overlayer_lowered:
.L_overlay_start_2:
0x2b3: {  	(tag) =	ssettag $0x2  }
0x2b4: {  	s0 =	rddreg [dreg:$0x0];
	s2 =	stileid.u32  }
0x2b5: {  	s1 =	rddreg [dreg:$0x1];
	p0 =	sne.s32 s2, $0x0  }
0x2b6: {  	s3 =	rddreg [dreg:$0x2];
	[bflag:$0x3] =	sbarrier.arrive $0xFFFF;
	s2 =	simm.s32 @!p0 $0x1C02  }
0x2b7: {  	[timem:s3], [sflag:s2] =	dma.local @!p0 [hbm:s0], s1  }
0x2b8: {  	s0 =	simm.s32 @!p0 $0x2  }
0x2b9: {  	_ =	swait.ge @!p0 [sflag:s0], s1  }
0x2ba: {  	s1 =	ssub.s32 @!p0 $0x0, s1;
	[sflag:s0] =	ssyncset.done @!p0 $0x0  }
0x2bb: {  	[sflag:s0] =	ssyncadd.s32 @!p0 s1  }
0x2bc: {  	[bflag:$0x3] =	sbarrier.arrive $0xFFFF  }
0x2bd: {  	_ =	shalt  }

</sc_bundles>
